<compile_context>
chip_gen: v7x
topology: tpu7x:2x2x1
jax: 0.10.2.dev20260603
libtpu: 0.0.44.dev20260713+nightly
codegen_flags: <defaults>
</compile_context>

<pallas_src>
import jax
import jax.numpy as jnp
from jax import lax
from jax.experimental import pallas as pl
from jax.experimental.pallas import tpu as pltpu
from jax.experimental.pallas import tpu_sc as plsc

_D = 1024
_SEQ = 4096
_BATCH = 4
_ROWS = _BATCH * _SEQ
_NC = 2
_NS = 16
_NW = _NC * _NS
_CHUNK = _ROWS // _NW
_GROWS = 72
_LANES = 16
_NITER = _D // _LANES


def _tec_body(emb_hbm, out_hbm, buf_ref, lsem, osem):
    wid = lax.axis_index("s") * _NC + lax.axis_index("c")
    base = wid * _CHUNK
    pos = (wid % (_SEQ // _CHUNK)) * _CHUNK
    pos = pos.astype(jnp.int32)
    m = (pos >= 2048).astype(jnp.int32) + (pos >= 3072).astype(jnp.int32)
    seg_start = (pos == 0) | (pos == 2048) | (pos == 3072)
    first = m + 3 * seg_start.astype(jnp.int32)

    c1 = pltpu.async_copy(
        emb_hbm.at[pl.ds(first, 1)], buf_ref.at[pl.ds(0, 1)], lsem
    )
    c2 = pltpu.async_copy(emb_hbm.at[pl.ds(m, 1)], buf_ref.at[pl.ds(8, 1)], lsem)
    c1.wait()
    c2.wait()

    def make_fill(lo, hi):
        def fill(c, carry):
            dsl = pl.ds(c * _LANES, _LANES)
            vm = buf_ref[8, dsl]
            for r in range(lo, hi):
                if r != 8:
                    buf_ref[r, dsl] = vm
            return carry

        return fill

    copies = []

    lax.fori_loop(0, _NITER, make_fill(1, 8), 0)
    copies.append(
        pltpu.async_copy(
            buf_ref.at[pl.ds(0, 8)], out_hbm.at[pl.ds(base, 8)], osem
        )
    )
    lax.fori_loop(0, _NITER, make_fill(9, 24), 0)
    copies.append(
        pltpu.async_copy(
            buf_ref.at[pl.ds(8, 16)], out_hbm.at[pl.ds(base + 8, 16)], osem
        )
    )
    lax.fori_loop(0, _NITER, make_fill(24, 40), 0)
    copies.append(
        pltpu.async_copy(
            buf_ref.at[pl.ds(8, 32)], out_hbm.at[pl.ds(base + 24, 32)], osem
        )
    )
    lax.fori_loop(0, _NITER, make_fill(40, _GROWS), 0)
    copies.append(
        pltpu.async_copy(
            buf_ref.at[pl.ds(8, 64)], out_hbm.at[pl.ds(base + 56, 64)], osem
        )
    )
    for k in range(6):
        copies.append(
            pltpu.async_copy(
                buf_ref.at[pl.ds(8, 64)],
                out_hbm.at[pl.ds(base + 120 + k * 64, 64)],
                osem,
            )
        )
    copies.append(
        pltpu.async_copy(
            buf_ref.at[pl.ds(8, 8)], out_hbm.at[pl.ds(base + 504, 8)], osem
        )
    )
    for c in copies:
        c.wait()


@jax.jit
def _modal_embed(emb):
    out = pl.kernel(
        _tec_body,
        mesh=plsc.VectorSubcoreMesh(core_axis_name="c", subcore_axis_name="s"),
        out_type=jax.ShapeDtypeStruct((_ROWS, _D), jnp.float32),
        scratch_types=[
            pltpu.VMEM((_GROWS, _D), jnp.float32),
            pltpu.SemaphoreType.DMA,
            pltpu.SemaphoreType.DMA,
        ],
    )(emb)
    return out.reshape(_BATCH, _SEQ, _D)


def kernel(modal_feat_0, modal_feat_1, modal_feat_2, modal_emb):
    del modal_feat_0, modal_feat_1, modal_feat_2
    return _modal_embed(modal_emb)

# --- scband reference (transcript-rebuilt; emitter-appended) ---
"""Pipeline reference for scband-modal-embedding-21749714387278 (READ-ONLY COPY).

The authoritative reference and input builder live on the scoring server;
editing this copy changes nothing except your own understanding.
"""

import jax, jax.numpy as jnp
import numpy as np

NUM_MODAL = 3
D_MODEL = 1024
MODAL_DIFFERENT = True


def setup_inputs(seed: int = 0) -> dict:
    key = jax.random.key(seed)
    k0, k1, k2, kw = jax.random.split(key, 4)
    modal_feat_0 = jax.random.normal(k0, (4, 2048, 1024), dtype=jnp.float32)
    modal_feat_1 = jax.random.normal(k1, (4, 1024, 1024), dtype=jnp.float32)
    modal_feat_2 = jax.random.normal(k2, (4, 1024, 1024), dtype=jnp.float32)
    n_rows = NUM_MODAL * 2 if MODAL_DIFFERENT else NUM_MODAL
    modal_emb = jax.random.normal(kw, (n_rows, D_MODEL), dtype=jnp.float32)
    return {
        "modal_feat_0": modal_feat_0,
        "modal_feat_1": modal_feat_1,
        "modal_feat_2": modal_feat_2,
        "modal_emb": modal_emb,
    }


def _build_labels(modal_lens):
    labels = []
    for i, length in enumerate(modal_lens):
        if MODAL_DIFFERENT:
            labels.append(i + NUM_MODAL)
        else:
            labels.append(i)
        labels.extend([i] * (length - 1))
    return jnp.asarray(np.array(labels, dtype=np.int64))


def reference(modal_feat_0, modal_feat_1, modal_feat_2, modal_emb):
    modal_feats = [modal_feat_0, modal_feat_1, modal_feat_2]
    modal_lens = [f.shape[1] for f in modal_feats]
    batch_size = modal_feats[0].shape[0]
    labels = _build_labels(modal_lens)
    modal_embeddings = jnp.take(modal_emb, labels, axis=0)
    return jnp.broadcast_to(
        modal_embeddings[None, :, :],
        (batch_size, modal_embeddings.shape[0], modal_embeddings.shape[1]),
    )

if __name__ == "__main__":
    import jax
    _d = setup_inputs()
    print(jax.jit(kernel)(*tuple(_d.values())))

</pallas_src>

<mosaic_0001>
#map = affine_map<(d0, d1) -> (0, 0)>
module attributes {stable_mosaic.version = 14 : i64} {
  func.func @_tec_body(%arg0: i32, %arg1: i32, %arg2: memref<6x1024xf32, #tpu.memory_space<hbm>>, %arg3: memref<16384x1024xf32, #tpu.memory_space<hbm>>, %arg4: memref<72x1024xf32, #tpu.memory_space<vmem>>, %arg5: memref<!tpu.dma_semaphore, #tpu.memory_space<semaphore_mem>>, %arg6: memref<!tpu.dma_semaphore, #tpu.memory_space<semaphore_mem>>) attributes {dimension_semantics = [#tpu.dimension_semantics<core_parallel>, #tpu.dimension_semantics<subcore_parallel>], iteration_bounds = array<i64: 2, 16>, scalar_prefetch = 0 : i64, scratch_operands = 3 : i64, tpu.core_type = #tpu.core_type<sc_vector_subcore>, window_params = [{transform_indices = #map}, {transform_indices = #map}]} {
    %mul3A = arith.constant 2 : i32
    %mul3A_0 = arith.muli %arg1, %mul3A : i32
    %add3A = arith.addi %mul3A_0, %arg0 : i32
    %mul3A_1 = arith.constant 512 : i32
    %mul3A_2 = arith.muli %add3A, %mul3A_1 : i32
    %jit3A = arith.constant 8 : i32
    %eq3A = arith.constant 0 : i32
    %eq3A_3 = arith.cmpi eq, %jit3A, %eq3A : i32
    %jit3A_4 = arith.constant 1 : i32
    %select_n3A = arith.select %eq3A_3, %jit3A_4, %jit3A : i32
    %rem3A = arith.remsi %add3A, %select_n3A : i32
    %ne3A = arith.constant 0 : i32
    %ne3A_5 = arith.cmpi ne, %rem3A, %ne3A : i32
    %lt3A = arith.constant 0 : i32
    %lt3A_6 = arith.cmpi slt, %rem3A, %lt3A : i32
    %lt3A_7 = arith.constant 0 : i32
    %lt3A_8 = arith.cmpi slt, %select_n3A, %lt3A_7 : i32
    %ne3A_9 = arith.xori %lt3A_6, %lt3A_8 : i1
    %and3A = arith.andi %ne3A_9, %ne3A_5 : i1
    %add3A_10 = arith.addi %rem3A, %select_n3A : i32
    %select_n3A_11 = arith.select %and3A, %add3A_10, %rem3A : i32
    %mul3A_12 = arith.constant 512 : i32
    %mul3A_13 = arith.muli %select_n3A_11, %mul3A_12 : i32
    %ge3A = arith.constant 2048 : i32
    %ge3A_14 = arith.cmpi sge, %mul3A_13, %ge3A : i32
    %convert_element_type3A = arith.extui %ge3A_14 : i1 to i32
    %ge3A_15 = arith.constant 3072 : i32
    %ge3A_16 = arith.cmpi sge, %mul3A_13, %ge3A_15 : i32
    %convert_element_type3A_17 = arith.extui %ge3A_16 : i1 to i32
    %add3A_18 = arith.addi %convert_element_type3A, %convert_element_type3A_17 : i32
    %eq3A_19 = arith.constant 0 : i32
    %eq3A_20 = arith.cmpi eq, %mul3A_13, %eq3A_19 : i32
    %eq3A_21 = arith.constant 2048 : i32
    %eq3A_22 = arith.cmpi eq, %mul3A_13, %eq3A_21 : i32
    %or3A = arith.ori %eq3A_20, %eq3A_22 : i1
    %eq3A_23 = arith.constant 3072 : i32
    %eq3A_24 = arith.cmpi eq, %mul3A_13, %eq3A_23 : i32
    %or3A_25 = arith.ori %or3A, %eq3A_24 : i1
    %convert_element_type3A_26 = arith.extui %or3A_25 : i1 to i32
    %mul3A_27 = arith.constant 3 : i32
    %mul3A_28 = arith.muli %mul3A_27, %convert_element_type3A_26 : i32
    %add3A_29 = arith.addi %add3A_18, %mul3A_28 : i32
    %dma_start3A = arith.constant 0 : i32
    %dma_start3A_30 = arith.constant 0 : i32
    %dma_start3A_31 = tpu.memref_slice %arg4[%dma_start3A, %dma_start3A_30] : memref<72x1024xf32, #tpu.memory_space<vmem>> -> memref<1x1024xf32, #tpu.memory_space<vmem>>
    %dma_start3A_32 = arith.constant 0 : i32
    %dma_start3A_33 = tpu.memref_slice %arg2[%add3A_29, %dma_start3A_32] : memref<6x1024xf32, #tpu.memory_space<hbm>> -> memref<1x1024xf32, #tpu.memory_space<hbm>>
    %dma_start3A_34 = arith.constant 0 : i32
    %dma_start3A_35 = arith.constant 0 : i32
    %dma_start3A_36 = tpu.memref_slice %arg4[%dma_start3A_34, %dma_start3A_35] : memref<72x1024xf32, #tpu.memory_space<vmem>> -> memref<1x1024xf32, #tpu.memory_space<vmem>>
    %dma_start3A_37 = arith.constant 0 : i32
    %dma_start3A_38 = tpu.memref_slice %arg2[%add3A_29, %dma_start3A_37] : memref<6x1024xf32, #tpu.memory_space<hbm>> -> memref<1x1024xf32, #tpu.memory_space<hbm>>
    tpu.enqueue_dma source(%dma_start3A_38 : memref<1x1024xf32, #tpu.memory_space<hbm>>) target(%dma_start3A_36 : memref<1x1024xf32, #tpu.memory_space<vmem>>) target_semaphore(%arg5 : memref<!tpu.dma_semaphore, #tpu.memory_space<semaphore_mem>>)
    %dma_start3A_39 = arith.constant 8 : i32
    %dma_start3A_40 = arith.constant 0 : i32
    %dma_start3A_41 = tpu.memref_slice %arg4[%dma_start3A_39, %dma_start3A_40] : memref<72x1024xf32, #tpu.memory_space<vmem>> -> memref<1x1024xf32, #tpu.memory_space<vmem>>
    %dma_start3A_42 = arith.constant 0 : i32
    %dma_start3A_43 = tpu.memref_slice %arg2[%add3A_18, %dma_start3A_42] : memref<6x1024xf32, #tpu.memory_space<hbm>> -> memref<1x1024xf32, #tpu.memory_space<hbm>>
    %dma_start3A_44 = arith.constant 8 : i32
    %dma_start3A_45 = arith.constant 0 : i32
    %dma_start3A_46 = tpu.memref_slice %arg4[%dma_start3A_44, %dma_start3A_45] : memref<72x1024xf32, #tpu.memory_space<vmem>> -> memref<1x1024xf32, #tpu.memory_space<vmem>>
    %dma_start3A_47 = arith.constant 0 : i32
    %dma_start3A_48 = tpu.memref_slice %arg2[%add3A_18, %dma_start3A_47] : memref<6x1024xf32, #tpu.memory_space<hbm>> -> memref<1x1024xf32, #tpu.memory_space<hbm>>
    tpu.enqueue_dma source(%dma_start3A_48 : memref<1x1024xf32, #tpu.memory_space<hbm>>) target(%dma_start3A_46 : memref<1x1024xf32, #tpu.memory_space<vmem>>) target_semaphore(%arg5 : memref<!tpu.dma_semaphore, #tpu.memory_space<semaphore_mem>>)
    %dma_wait3A = arith.constant 0 : i32
    %dma_wait3A_49 = arith.constant 0 : i32
    %dma_wait3A_50 = tpu.memref_slice %arg4[%dma_wait3A, %dma_wait3A_49] : memref<72x1024xf32, #tpu.memory_space<vmem>> -> memref<1x1024xf32, #tpu.memory_space<vmem>>
    %dma_wait3A_51 = arith.constant 0 : i32
    %dma_wait3A_52 = tpu.memref_slice %arg2[%add3A_29, %dma_wait3A_51] : memref<6x1024xf32, #tpu.memory_space<hbm>> -> memref<1x1024xf32, #tpu.memory_space<hbm>>
    %dma_wait3A_53 = arith.constant 0 : i32
    %dma_wait3A_54 = arith.constant 0 : i32
    %dma_wait3A_55 = tpu.memref_slice %arg4[%dma_wait3A_53, %dma_wait3A_54] : memref<72x1024xf32, #tpu.memory_space<vmem>> -> memref<1x1024xf32, #tpu.memory_space<vmem>>
    %dma_wait3A_56 = arith.constant 0 : i32
    %dma_wait3A_57 = tpu.memref_slice %arg2[%add3A_29, %dma_wait3A_56] : memref<6x1024xf32, #tpu.memory_space<hbm>> -> memref<1x1024xf32, #tpu.memory_space<hbm>>
    tpu.wait_dma2 semaphore(%arg5 : memref<!tpu.dma_semaphore, #tpu.memory_space<semaphore_mem>>) src(%dma_wait3A_57 : memref<1x1024xf32, #tpu.memory_space<hbm>>) dst(%dma_wait3A_55 : memref<1x1024xf32, #tpu.memory_space<vmem>>)
    %dma_wait3A_58 = arith.constant 8 : i32
    %dma_wait3A_59 = arith.constant 0 : i32
    %dma_wait3A_60 = tpu.memref_slice %arg4[%dma_wait3A_58, %dma_wait3A_59] : memref<72x1024xf32, #tpu.memory_space<vmem>> -> memref<1x1024xf32, #tpu.memory_space<vmem>>
    %dma_wait3A_61 = arith.constant 0 : i32
    %dma_wait3A_62 = tpu.memref_slice %arg2[%add3A_18, %dma_wait3A_61] : memref<6x1024xf32, #tpu.memory_space<hbm>> -> memref<1x1024xf32, #tpu.memory_space<hbm>>
    %dma_wait3A_63 = arith.constant 8 : i32
    %dma_wait3A_64 = arith.constant 0 : i32
    %dma_wait3A_65 = tpu.memref_slice %arg4[%dma_wait3A_63, %dma_wait3A_64] : memref<72x1024xf32, #tpu.memory_space<vmem>> -> memref<1x1024xf32, #tpu.memory_space<vmem>>
    %dma_wait3A_66 = arith.constant 0 : i32
    %dma_wait3A_67 = tpu.memref_slice %arg2[%add3A_18, %dma_wait3A_66] : memref<6x1024xf32, #tpu.memory_space<hbm>> -> memref<1x1024xf32, #tpu.memory_space<hbm>>
    tpu.wait_dma2 semaphore(%arg5 : memref<!tpu.dma_semaphore, #tpu.memory_space<semaphore_mem>>) src(%dma_wait3A_67 : memref<1x1024xf32, #tpu.memory_space<hbm>>) dst(%dma_wait3A_65 : memref<1x1024xf32, #tpu.memory_space<vmem>>)
    %scan3A = arith.constant 0 : i32
    %scan3A_68 = arith.constant 0 : i32
    %scan3A_69 = arith.constant 64 : i32
    %scan3A_70 = arith.addi %scan3A_68, %scan3A_69 : i32
    %scan3A_71 = arith.constant 1 : i32
    scf.for %scan3A_343 = %scan3A_68 to %scan3A_70 step %scan3A_71  : i32 {
      %mul3A_344 = arith.constant 16 : i32
      %mul3A_345 = arith.muli %scan3A_343, %mul3A_344 : i32
      %get3A = arith.constant 8 : i32
      %get3A_346 = arith.index_cast %get3A : i32 to index
      %get3A_347 = arith.index_cast %mul3A_345 : i32 to index
      %get3A_348 = tpu.vector_load %arg4[%get3A_346, %get3A_347] {strides = array<i32>} : memref<72x1024xf32, #tpu.memory_space<vmem>>, vector<1x16xf32>,
      %get3A_349 = vector.shape_cast %get3A_348 : vector<1x16xf32> to vector<16xf32>
      %swap3A = arith.constant 1 : i32
      %swap3A_350 = arith.index_cast %swap3A : i32 to index
      %swap3A_351 = arith.index_cast %mul3A_345 : i32 to index
      %swap3A_352 = tpu.vector_load %arg4[%swap3A_350, %swap3A_351] {strides = array<i32>} : memref<72x1024xf32, #tpu.memory_space<vmem>>, vector<1x16xf32>,
      %swap3A_353 = vector.shape_cast %swap3A_352 : vector<1x16xf32> to vector<16xf32>
      %swap3A_354 = vector.shape_cast %get3A_349 : vector<16xf32> to vector<1x16xf32>
      tpu.vector_store %arg4[%swap3A_350, %swap3A_351], %swap3A_354 {strides = array<i32>} : memref<72x1024xf32, #tpu.memory_space<vmem>>, vector<1x16xf32>,
      %swap3A_355 = arith.constant 2 : i32
      %swap3A_356 = arith.index_cast %swap3A_355 : i32 to index
      %swap3A_357 = arith.index_cast %mul3A_345 : i32 to index
      %swap3A_358 = tpu.vector_load %arg4[%swap3A_356, %swap3A_357] {strides = array<i32>} : memref<72x1024xf32, #tpu.memory_space<vmem>>, vector<1x16xf32>,
      %swap3A_359 = vector.shape_cast %swap3A_358 : vector<1x16xf32> to vector<16xf32>
      %swap3A_360 = vector.shape_cast %get3A_349 : vector<16xf32> to vector<1x16xf32>
      tpu.vector_store %arg4[%swap3A_356, %swap3A_357], %swap3A_360 {strides = array<i32>} : memref<72x1024xf32, #tpu.memory_space<vmem>>, vector<1x16xf32>,
      %swap3A_361 = arith.constant 3 : i32
      %swap3A_362 = arith.index_cast %swap3A_361 : i32 to index
      %swap3A_363 = arith.index_cast %mul3A_345 : i32 to index
      %swap3A_364 = tpu.vector_load %arg4[%swap3A_362, %swap3A_363] {strides = array<i32>} : memref<72x1024xf32, #tpu.memory_space<vmem>>, vector<1x16xf32>,
      %swap3A_365 = vector.shape_cast %swap3A_364 : vector<1x16xf32> to vector<16xf32>
      %swap3A_366 = vector.shape_cast %get3A_349 : vector<16xf32> to vector<1x16xf32>
      tpu.vector_store %arg4[%swap3A_362, %swap3A_363], %swap3A_366 {strides = array<i32>} : memref<72x1024xf32, #tpu.memory_space<vmem>>, vector<1x16xf32>,
      %swap3A_367 = arith.constant 4 : i32
      %swap3A_368 = arith.index_cast %swap3A_367 : i32 to index
      %swap3A_369 = arith.index_cast %mul3A_345 : i32 to index
      %swap3A_370 = tpu.vector_load %arg4[%swap3A_368, %swap3A_369] {strides = array<i32>} : memref<72x1024xf32, #tpu.memory_space<vmem>>, vector<1x16xf32>,
      %swap3A_371 = vector.shape_cast %swap3A_370 : vector<1x16xf32> to vector<16xf32>
      %swap3A_372 = vector.shape_cast %get3A_349 : vector<16xf32> to vector<1x16xf32>
      tpu.vector_store %arg4[%swap3A_368, %swap3A_369], %swap3A_372 {strides = array<i32>} : memref<72x1024xf32, #tpu.memory_space<vmem>>, vector<1x16xf32>,
      %swap3A_373 = arith.constant 5 : i32
      %swap3A_374 = arith.index_cast %swap3A_373 : i32 to index
      %swap3A_375 = arith.index_cast %mul3A_345 : i32 to index
      %swap3A_376 = tpu.vector_load %arg4[%swap3A_374, %swap3A_375] {strides = array<i32>} : memref<72x1024xf32, #tpu.memory_space<vmem>>, vector<1x16xf32>,
      %swap3A_377 = vector.shape_cast %swap3A_376 : vector<1x16xf32> to vector<16xf32>
      %swap3A_378 = vector.shape_cast %get3A_349 : vector<16xf32> to vector<1x16xf32>
      tpu.vector_store %arg4[%swap3A_374, %swap3A_375], %swap3A_378 {strides = array<i32>} : memref<72x1024xf32, #tpu.memory_space<vmem>>, vector<1x16xf32>,
      %swap3A_379 = arith.constant 6 : i32
      %swap3A_380 = arith.index_cast %swap3A_379 : i32 to index
      %swap3A_381 = arith.index_cast %mul3A_345 : i32 to index
      %swap3A_382 = tpu.vector_load %arg4[%swap3A_380, %swap3A_381] {strides = array<i32>} : memref<72x1024xf32, #tpu.memory_space<vmem>>, vector<1x16xf32>,
      %swap3A_383 = vector.shape_cast %swap3A_382 : vector<1x16xf32> to vector<16xf32>
      %swap3A_384 = vector.shape_cast %get3A_349 : vector<16xf32> to vector<1x16xf32>
      tpu.vector_store %arg4[%swap3A_380, %swap3A_381], %swap3A_384 {strides = array<i32>} : memref<72x1024xf32, #tpu.memory_space<vmem>>, vector<1x16xf32>,
      %swap3A_385 = arith.constant 7 : i32
      %swap3A_386 = arith.index_cast %swap3A_385 : i32 to index
      %swap3A_387 = arith.index_cast %mul3A_345 : i32 to index
      %swap3A_388 = tpu.vector_load %arg4[%swap3A_386, %swap3A_387] {strides = array<i32>} : memref<72x1024xf32, #tpu.memory_space<vmem>>, vector<1x16xf32>,
      %swap3A_389 = vector.shape_cast %swap3A_388 : vector<1x16xf32> to vector<16xf32>
      %swap3A_390 = vector.shape_cast %get3A_349 : vector<16xf32> to vector<1x16xf32>
      tpu.vector_store %arg4[%swap3A_386, %swap3A_387], %swap3A_390 {strides = array<i32>} : memref<72x1024xf32, #tpu.memory_space<vmem>>, vector<1x16xf32>,
    }
    %scan3A_72 = arith.constant 64 : i32
    %dma_start3A_73 = arith.constant 0 : i32
    %dma_start3A_74 = arith.constant 0 : i32
    %dma_start3A_75 = tpu.memref_slice %arg4[%dma_start3A_73, %dma_start3A_74] : memref<72x1024xf32, #tpu.memory_space<vmem>> -> memref<8x1024xf32, #tpu.memory_space<vmem>>
    %dma_start3A_76 = arith.constant 0 : i32
    %dma_start3A_77 = tpu.memref_slice %arg3[%mul3A_2, %dma_start3A_76] : memref<16384x1024xf32, #tpu.memory_space<hbm>> -> memref<8x1024xf32, #tpu.memory_space<hbm>>
    %dma_start3A_78 = arith.constant 0 : i32
    %dma_start3A_79 = tpu.memref_slice %arg3[%mul3A_2, %dma_start3A_78] : memref<16384x1024xf32, #tpu.memory_space<hbm>> -> memref<8x1024xf32, #tpu.memory_space<hbm>>
    %dma_start3A_80 = arith.constant 0 : i32
    %dma_start3A_81 = arith.constant 0 : i32
    %dma_start3A_82 = tpu.memref_slice %arg4[%dma_start3A_80, %dma_start3A_81] : memref<72x1024xf32, #tpu.memory_space<vmem>> -> memref<8x1024xf32, #tpu.memory_space<vmem>>
    tpu.enqueue_dma source(%dma_start3A_82 : memref<8x1024xf32, #tpu.memory_space<vmem>>) target(%dma_start3A_79 : memref<8x1024xf32, #tpu.memory_space<hbm>>) target_semaphore(%arg6 : memref<!tpu.dma_semaphore, #tpu.memory_space<semaphore_mem>>)
    %scan3A_83 = arith.constant 0 : i32
    %scan3A_84 = arith.constant 0 : i32
    %scan3A_85 = arith.constant 64 : i32
    %scan3A_86 = arith.addi %scan3A_84, %scan3A_85 : i32
    %scan3A_87 = arith.constant 1 : i32
    scf.for %scan3A_343 = %scan3A_84 to %scan3A_86 step %scan3A_87  : i32 {
      %mul3A_344 = arith.constant 16 : i32
      %mul3A_345 = arith.muli %scan3A_343, %mul3A_344 : i32
      %get3A = arith.constant 8 : i32
      %get3A_346 = arith.index_cast %get3A : i32 to index
      %get3A_347 = arith.index_cast %mul3A_345 : i32 to index
      %get3A_348 = tpu.vector_load %arg4[%get3A_346, %get3A_347] {strides = array<i32>} : memref<72x1024xf32, #tpu.memory_space<vmem>>, vector<1x16xf32>,
      %get3A_349 = vector.shape_cast %get3A_348 : vector<1x16xf32> to vector<16xf32>
      %swap3A = arith.constant 9 : i32
      %swap3A_350 = arith.index_cast %swap3A : i32 to index
      %swap3A_351 = arith.index_cast %mul3A_345 : i32 to index
      %swap3A_352 = tpu.vector_load %arg4[%swap3A_350, %swap3A_351] {strides = array<i32>} : memref<72x1024xf32, #tpu.memory_space<vmem>>, vector<1x16xf32>,
      %swap3A_353 = vector.shape_cast %swap3A_352 : vector<1x16xf32> to vector<16xf32>
      %swap3A_354 = vector.shape_cast %get3A_349 : vector<16xf32> to vector<1x16xf32>
      tpu.vector_store %arg4[%swap3A_350, %swap3A_351], %swap3A_354 {strides = array<i32>} : memref<72x1024xf32, #tpu.memory_space<vmem>>, vector<1x16xf32>,
      %swap3A_355 = arith.constant 10 : i32
      %swap3A_356 = arith.index_cast %swap3A_355 : i32 to index
      %swap3A_357 = arith.index_cast %mul3A_345 : i32 to index
      %swap3A_358 = tpu.vector_load %arg4[%swap3A_356, %swap3A_357] {strides = array<i32>} : memref<72x1024xf32, #tpu.memory_space<vmem>>, vector<1x16xf32>,
      %swap3A_359 = vector.shape_cast %swap3A_358 : vector<1x16xf32> to vector<16xf32>
      %swap3A_360 = vector.shape_cast %get3A_349 : vector<16xf32> to vector<1x16xf32>
      tpu.vector_store %arg4[%swap3A_356, %swap3A_357], %swap3A_360 {strides = array<i32>} : memref<72x1024xf32, #tpu.memory_space<vmem>>, vector<1x16xf32>,
      %swap3A_361 = arith.constant 11 : i32
      %swap3A_362 = arith.index_cast %swap3A_361 : i32 to index
      %swap3A_363 = arith.index_cast %mul3A_345 : i32 to index
      %swap3A_364 = tpu.vector_load %arg4[%swap3A_362, %swap3A_363] {strides = array<i32>} : memref<72x1024xf32, #tpu.memory_space<vmem>>, vector<1x16xf32>,
      %swap3A_365 = vector.shape_cast %swap3A_364 : vector<1x16xf32> to vector<16xf32>
      %swap3A_366 = vector.shape_cast %get3A_349 : vector<16xf32> to vector<1x16xf32>
      tpu.vector_store %arg4[%swap3A_362, %swap3A_363], %swap3A_366 {strides = array<i32>} : memref<72x1024xf32, #tpu.memory_space<vmem>>, vector<1x16xf32>,
      %swap3A_367 = arith.constant 12 : i32
      %swap3A_368 = arith.index_cast %swap3A_367 : i32 to index
      %swap3A_369 = arith.index_cast %mul3A_345 : i32 to index
      %swap3A_370 = tpu.vector_load %arg4[%swap3A_368, %swap3A_369] {strides = array<i32>} : memref<72x1024xf32, #tpu.memory_space<vmem>>, vector<1x16xf32>,
      %swap3A_371 = vector.shape_cast %swap3A_370 : vector<1x16xf32> to vector<16xf32>
      %swap3A_372 = vector.shape_cast %get3A_349 : vector<16xf32> to vector<1x16xf32>
      tpu.vector_store %arg4[%swap3A_368, %swap3A_369], %swap3A_372 {strides = array<i32>} : memref<72x1024xf32, #tpu.memory_space<vmem>>, vector<1x16xf32>,
      %swap3A_373 = arith.constant 13 : i32
      %swap3A_374 = arith.index_cast %swap3A_373 : i32 to index
      %swap3A_375 = arith.index_cast %mul3A_345 : i32 to index
      %swap3A_376 = tpu.vector_load %arg4[%swap3A_374, %swap3A_375] {strides = array<i32>} : memref<72x1024xf32, #tpu.memory_space<vmem>>, vector<1x16xf32>,
      %swap3A_377 = vector.shape_cast %swap3A_376 : vector<1x16xf32> to vector<16xf32>
      %swap3A_378 = vector.shape_cast %get3A_349 : vector<16xf32> to vector<1x16xf32>
      tpu.vector_store %arg4[%swap3A_374, %swap3A_375], %swap3A_378 {strides = array<i32>} : memref<72x1024xf32, #tpu.memory_space<vmem>>, vector<1x16xf32>,
      %swap3A_379 = arith.constant 14 : i32
      %swap3A_380 = arith.index_cast %swap3A_379 : i32 to index
      %swap3A_381 = arith.index_cast %mul3A_345 : i32 to index
      %swap3A_382 = tpu.vector_load %arg4[%swap3A_380, %swap3A_381] {strides = array<i32>} : memref<72x1024xf32, #tpu.memory_space<vmem>>, vector<1x16xf32>,
      %swap3A_383 = vector.shape_cast %swap3A_382 : vector<1x16xf32> to vector<16xf32>
      %swap3A_384 = vector.shape_cast %get3A_349 : vector<16xf32> to vector<1x16xf32>
      tpu.vector_store %arg4[%swap3A_380, %swap3A_381], %swap3A_384 {strides = array<i32>} : memref<72x1024xf32, #tpu.memory_space<vmem>>, vector<1x16xf32>,
      %swap3A_385 = arith.constant 15 : i32
      %swap3A_386 = arith.index_cast %swap3A_385 : i32 to index
      %swap3A_387 = arith.index_cast %mul3A_345 : i32 to index
      %swap3A_388 = tpu.vector_load %arg4[%swap3A_386, %swap3A_387] {strides = array<i32>} : memref<72x1024xf32, #tpu.memory_space<vmem>>, vector<1x16xf32>,
      %swap3A_389 = vector.shape_cast %swap3A_388 : vector<1x16xf32> to vector<16xf32>
      %swap3A_390 = vector.shape_cast %get3A_349 : vector<16xf32> to vector<1x16xf32>
      tpu.vector_store %arg4[%swap3A_386, %swap3A_387], %swap3A_390 {strides = array<i32>} : memref<72x1024xf32, #tpu.memory_space<vmem>>, vector<1x16xf32>,
      %swap3A_391 = arith.constant 16 : i32
      %swap3A_392 = arith.index_cast %swap3A_391 : i32 to index
      %swap3A_393 = arith.index_cast %mul3A_345 : i32 to index
      %swap3A_394 = tpu.vector_load %arg4[%swap3A_392, %swap3A_393] {strides = array<i32>} : memref<72x1024xf32, #tpu.memory_space<vmem>>, vector<1x16xf32>,
      %swap3A_395 = vector.shape_cast %swap3A_394 : vector<1x16xf32> to vector<16xf32>
      %swap3A_396 = vector.shape_cast %get3A_349 : vector<16xf32> to vector<1x16xf32>
      tpu.vector_store %arg4[%swap3A_392, %swap3A_393], %swap3A_396 {strides = array<i32>} : memref<72x1024xf32, #tpu.memory_space<vmem>>, vector<1x16xf32>,
      %swap3A_397 = arith.constant 17 : i32
      %swap3A_398 = arith.index_cast %swap3A_397 : i32 to index
      %swap3A_399 = arith.index_cast %mul3A_345 : i32 to index
      %swap3A_400 = tpu.vector_load %arg4[%swap3A_398, %swap3A_399] {strides = array<i32>} : memref<72x1024xf32, #tpu.memory_space<vmem>>, vector<1x16xf32>,
      %swap3A_401 = vector.shape_cast %swap3A_400 : vector<1x16xf32> to vector<16xf32>
      %swap3A_402 = vector.shape_cast %get3A_349 : vector<16xf32> to vector<1x16xf32>
      tpu.vector_store %arg4[%swap3A_398, %swap3A_399], %swap3A_402 {strides = array<i32>} : memref<72x1024xf32, #tpu.memory_space<vmem>>, vector<1x16xf32>,
      %swap3A_403 = arith.constant 18 : i32
      %swap3A_404 = arith.index_cast %swap3A_403 : i32 to index
      %swap3A_405 = arith.index_cast %mul3A_345 : i32 to index
      %swap3A_406 = tpu.vector_load %arg4[%swap3A_404, %swap3A_405] {strides = array<i32>} : memref<72x1024xf32, #tpu.memory_space<vmem>>, vector<1x16xf32>,
      %swap3A_407 = vector.shape_cast %swap3A_406 : vector<1x16xf32> to vector<16xf32>
      %swap3A_408 = vector.shape_cast %get3A_349 : vector<16xf32> to vector<1x16xf32>
      tpu.vector_store %arg4[%swap3A_404, %swap3A_405], %swap3A_408 {strides = array<i32>} : memref<72x1024xf32, #tpu.memory_space<vmem>>, vector<1x16xf32>,
      %swap3A_409 = arith.constant 19 : i32
      %swap3A_410 = arith.index_cast %swap3A_409 : i32 to index
      %swap3A_411 = arith.index_cast %mul3A_345 : i32 to index
      %swap3A_412 = tpu.vector_load %arg4[%swap3A_410, %swap3A_411] {strides = array<i32>} : memref<72x1024xf32, #tpu.memory_space<vmem>>, vector<1x16xf32>,
      %swap3A_413 = vector.shape_cast %swap3A_412 : vector<1x16xf32> to vector<16xf32>
      %swap3A_414 = vector.shape_cast %get3A_349 : vector<16xf32> to vector<1x16xf32>
      tpu.vector_store %arg4[%swap3A_410, %swap3A_411], %swap3A_414 {strides = array<i32>} : memref<72x1024xf32, #tpu.memory_space<vmem>>, vector<1x16xf32>,
      %swap3A_415 = arith.constant 20 : i32
      %swap3A_416 = arith.index_cast %swap3A_415 : i32 to index
      %swap3A_417 = arith.index_cast %mul3A_345 : i32 to index
      %swap3A_418 = tpu.vector_load %arg4[%swap3A_416, %swap3A_417] {strides = array<i32>} : memref<72x1024xf32, #tpu.memory_space<vmem>>, vector<1x16xf32>,
      %swap3A_419 = vector.shape_cast %swap3A_418 : vector<1x16xf32> to vector<16xf32>
      %swap3A_420 = vector.shape_cast %get3A_349 : vector<16xf32> to vector<1x16xf32>
      tpu.vector_store %arg4[%swap3A_416, %swap3A_417], %swap3A_420 {strides = array<i32>} : memref<72x1024xf32, #tpu.memory_space<vmem>>, vector<1x16xf32>,
      %swap3A_421 = arith.constant 21 : i32
      %swap3A_422 = arith.index_cast %swap3A_421 : i32 to index
      %swap3A_423 = arith.index_cast %mul3A_345 : i32 to index
      %swap3A_424 = tpu.vector_load %arg4[%swap3A_422, %swap3A_423] {strides = array<i32>} : memref<72x1024xf32, #tpu.memory_space<vmem>>, vector<1x16xf32>,
      %swap3A_425 = vector.shape_cast %swap3A_424 : vector<1x16xf32> to vector<16xf32>
      %swap3A_426 = vector.shape_cast %get3A_349 : vector<16xf32> to vector<1x16xf32>
      tpu.vector_store %arg4[%swap3A_422, %swap3A_423], %swap3A_426 {strides = array<i32>} : memref<72x1024xf32, #tpu.memory_space<vmem>>, vector<1x16xf32>,
      %swap3A_427 = arith.constant 22 : i32
      %swap3A_428 = arith.index_cast %swap3A_427 : i32 to index
      %swap3A_429 = arith.index_cast %mul3A_345 : i32 to index
      %swap3A_430 = tpu.vector_load %arg4[%swap3A_428, %swap3A_429] {strides = array<i32>} : memref<72x1024xf32, #tpu.memory_space<vmem>>, vector<1x16xf32>,
      %swap3A_431 = vector.shape_cast %swap3A_430 : vector<1x16xf32> to vector<16xf32>
      %swap3A_432 = vector.shape_cast %get3A_349 : vector<16xf32> to vector<1x16xf32>
      tpu.vector_store %arg4[%swap3A_428, %swap3A_429], %swap3A_432 {strides = array<i32>} : memref<72x1024xf32, #tpu.memory_space<vmem>>, vector<1x16xf32>,
      %swap3A_433 = arith.constant 23 : i32
      %swap3A_434 = arith.index_cast %swap3A_433 : i32 to index
      %swap3A_435 = arith.index_cast %mul3A_345 : i32 to index
      %swap3A_436 = tpu.vector_load %arg4[%swap3A_434, %swap3A_435] {strides = array<i32>} : memref<72x1024xf32, #tpu.memory_space<vmem>>, vector<1x16xf32>,
      %swap3A_437 = vector.shape_cast %swap3A_436 : vector<1x16xf32> to vector<16xf32>
      %swap3A_438 = vector.shape_cast %get3A_349 : vector<16xf32> to vector<1x16xf32>
      tpu.vector_store %arg4[%swap3A_434, %swap3A_435], %swap3A_438 {strides = array<i32>} : memref<72x1024xf32, #tpu.memory_space<vmem>>, vector<1x16xf32>,
    }
    %scan3A_88 = arith.constant 64 : i32
    %add3A_89 = arith.constant 8 : i32
    %add3A_90 = arith.addi %mul3A_2, %add3A_89 : i32
    %dma_start3A_91 = arith.constant 8 : i32
    %dma_start3A_92 = arith.constant 0 : i32
    %dma_start3A_93 = tpu.memref_slice %arg4[%dma_start3A_91, %dma_start3A_92] : memref<72x1024xf32, #tpu.memory_space<vmem>> -> memref<16x1024xf32, #tpu.memory_space<vmem>>
    %dma_start3A_94 = arith.constant 0 : i32
    %dma_start3A_95 = tpu.memref_slice %arg3[%add3A_90, %dma_start3A_94] : memref<16384x1024xf32, #tpu.memory_space<hbm>> -> memref<16x1024xf32, #tpu.memory_space<hbm>>
    %dma_start3A_96 = arith.constant 0 : i32
    %dma_start3A_97 = tpu.memref_slice %arg3[%add3A_90, %dma_start3A_96] : memref<16384x1024xf32, #tpu.memory_space<hbm>> -> memref<16x1024xf32, #tpu.memory_space<hbm>>
    %dma_start3A_98 = arith.constant 8 : i32
    %dma_start3A_99 = arith.constant 0 : i32
    %dma_start3A_100 = tpu.memref_slice %arg4[%dma_start3A_98, %dma_start3A_99] : memref<72x1024xf32, #tpu.memory_space<vmem>> -> memref<16x1024xf32, #tpu.memory_space<vmem>>
    tpu.enqueue_dma source(%dma_start3A_100 : memref<16x1024xf32, #tpu.memory_space<vmem>>) target(%dma_start3A_97 : memref<16x1024xf32, #tpu.memory_space<hbm>>) target_semaphore(%arg6 : memref<!tpu.dma_semaphore, #tpu.memory_space<semaphore_mem>>)
    %scan3A_101 = arith.constant 0 : i32
    %scan3A_102 = arith.constant 0 : i32
    %scan3A_103 = arith.constant 64 : i32
    %scan3A_104 = arith.addi %scan3A_102, %scan3A_103 : i32
    %scan3A_105 = arith.constant 1 : i32
    scf.for %scan3A_343 = %scan3A_102 to %scan3A_104 step %scan3A_105  : i32 {
      %mul3A_344 = arith.constant 16 : i32
      %mul3A_345 = arith.muli %scan3A_343, %mul3A_344 : i32
      %get3A = arith.constant 8 : i32
      %get3A_346 = arith.index_cast %get3A : i32 to index
      %get3A_347 = arith.index_cast %mul3A_345 : i32 to index
      %get3A_348 = tpu.vector_load %arg4[%get3A_346, %get3A_347] {strides = array<i32>} : memref<72x1024xf32, #tpu.memory_space<vmem>>, vector<1x16xf32>,
      %get3A_349 = vector.shape_cast %get3A_348 : vector<1x16xf32> to vector<16xf32>
      %swap3A = arith.constant 24 : i32
      %swap3A_350 = arith.index_cast %swap3A : i32 to index
      %swap3A_351 = arith.index_cast %mul3A_345 : i32 to index
      %swap3A_352 = tpu.vector_load %arg4[%swap3A_350, %swap3A_351] {strides = array<i32>} : memref<72x1024xf32, #tpu.memory_space<vmem>>, vector<1x16xf32>,
      %swap3A_353 = vector.shape_cast %swap3A_352 : vector<1x16xf32> to vector<16xf32>
      %swap3A_354 = vector.shape_cast %get3A_349 : vector<16xf32> to vector<1x16xf32>
      tpu.vector_store %arg4[%swap3A_350, %swap3A_351], %swap3A_354 {strides = array<i32>} : memref<72x1024xf32, #tpu.memory_space<vmem>>, vector<1x16xf32>,
      %swap3A_355 = arith.constant 25 : i32
      %swap3A_356 = arith.index_cast %swap3A_355 : i32 to index
      %swap3A_357 = arith.index_cast %mul3A_345 : i32 to index
      %swap3A_358 = tpu.vector_load %arg4[%swap3A_356, %swap3A_357] {strides = array<i32>} : memref<72x1024xf32, #tpu.memory_space<vmem>>, vector<1x16xf32>,
      %swap3A_359 = vector.shape_cast %swap3A_358 : vector<1x16xf32> to vector<16xf32>
      %swap3A_360 = vector.shape_cast %get3A_349 : vector<16xf32> to vector<1x16xf32>
      tpu.vector_store %arg4[%swap3A_356, %swap3A_357], %swap3A_360 {strides = array<i32>} : memref<72x1024xf32, #tpu.memory_space<vmem>>, vector<1x16xf32>,
      %swap3A_361 = arith.constant 26 : i32
      %swap3A_362 = arith.index_cast %swap3A_361 : i32 to index
      %swap3A_363 = arith.index_cast %mul3A_345 : i32 to index
      %swap3A_364 = tpu.vector_load %arg4[%swap3A_362, %swap3A_363] {strides = array<i32>} : memref<72x1024xf32, #tpu.memory_space<vmem>>, vector<1x16xf32>,
      %swap3A_365 = vector.shape_cast %swap3A_364 : vector<1x16xf32> to vector<16xf32>
      %swap3A_366 = vector.shape_cast %get3A_349 : vector<16xf32> to vector<1x16xf32>
      tpu.vector_store %arg4[%swap3A_362, %swap3A_363], %swap3A_366 {strides = array<i32>} : memref<72x1024xf32, #tpu.memory_space<vmem>>, vector<1x16xf32>,
      %swap3A_367 = arith.constant 27 : i32
      %swap3A_368 = arith.index_cast %swap3A_367 : i32 to index
      %swap3A_369 = arith.index_cast %mul3A_345 : i32 to index
      %swap3A_370 = tpu.vector_load %arg4[%swap3A_368, %swap3A_369] {strides = array<i32>} : memref<72x1024xf32, #tpu.memory_space<vmem>>, vector<1x16xf32>,
      %swap3A_371 = vector.shape_cast %swap3A_370 : vector<1x16xf32> to vector<16xf32>
      %swap3A_372 = vector.shape_cast %get3A_349 : vector<16xf32> to vector<1x16xf32>
      tpu.vector_store %arg4[%swap3A_368, %swap3A_369], %swap3A_372 {strides = array<i32>} : memref<72x1024xf32, #tpu.memory_space<vmem>>, vector<1x16xf32>,
      %swap3A_373 = arith.constant 28 : i32
      %swap3A_374 = arith.index_cast %swap3A_373 : i32 to index
      %swap3A_375 = arith.index_cast %mul3A_345 : i32 to index
      %swap3A_376 = tpu.vector_load %arg4[%swap3A_374, %swap3A_375] {strides = array<i32>} : memref<72x1024xf32, #tpu.memory_space<vmem>>, vector<1x16xf32>,
      %swap3A_377 = vector.shape_cast %swap3A_376 : vector<1x16xf32> to vector<16xf32>
      %swap3A_378 = vector.shape_cast %get3A_349 : vector<16xf32> to vector<1x16xf32>
      tpu.vector_store %arg4[%swap3A_374, %swap3A_375], %swap3A_378 {strides = array<i32>} : memref<72x1024xf32, #tpu.memory_space<vmem>>, vector<1x16xf32>,
      %swap3A_379 = arith.constant 29 : i32
      %swap3A_380 = arith.index_cast %swap3A_379 : i32 to index
      %swap3A_381 = arith.index_cast %mul3A_345 : i32 to index
      %swap3A_382 = tpu.vector_load %arg4[%swap3A_380, %swap3A_381] {strides = array<i32>} : memref<72x1024xf32, #tpu.memory_space<vmem>>, vector<1x16xf32>,
      %swap3A_383 = vector.shape_cast %swap3A_382 : vector<1x16xf32> to vector<16xf32>
      %swap3A_384 = vector.shape_cast %get3A_349 : vector<16xf32> to vector<1x16xf32>
      tpu.vector_store %arg4[%swap3A_380, %swap3A_381], %swap3A_384 {strides = array<i32>} : memref<72x1024xf32, #tpu.memory_space<vmem>>, vector<1x16xf32>,
      %swap3A_385 = arith.constant 30 : i32
      %swap3A_386 = arith.index_cast %swap3A_385 : i32 to index
      %swap3A_387 = arith.index_cast %mul3A_345 : i32 to index
      %swap3A_388 = tpu.vector_load %arg4[%swap3A_386, %swap3A_387] {strides = array<i32>} : memref<72x1024xf32, #tpu.memory_space<vmem>>, vector<1x16xf32>,
      %swap3A_389 = vector.shape_cast %swap3A_388 : vector<1x16xf32> to vector<16xf32>
      %swap3A_390 = vector.shape_cast %get3A_349 : vector<16xf32> to vector<1x16xf32>
      tpu.vector_store %arg4[%swap3A_386, %swap3A_387], %swap3A_390 {strides = array<i32>} : memref<72x1024xf32, #tpu.memory_space<vmem>>, vector<1x16xf32>,
      %swap3A_391 = arith.constant 31 : i32
      %swap3A_392 = arith.index_cast %swap3A_391 : i32 to index
      %swap3A_393 = arith.index_cast %mul3A_345 : i32 to index
      %swap3A_394 = tpu.vector_load %arg4[%swap3A_392, %swap3A_393] {strides = array<i32>} : memref<72x1024xf32, #tpu.memory_space<vmem>>, vector<1x16xf32>,
      %swap3A_395 = vector.shape_cast %swap3A_394 : vector<1x16xf32> to vector<16xf32>
      %swap3A_396 = vector.shape_cast %get3A_349 : vector<16xf32> to vector<1x16xf32>
      tpu.vector_store %arg4[%swap3A_392, %swap3A_393], %swap3A_396 {strides = array<i32>} : memref<72x1024xf32, #tpu.memory_space<vmem>>, vector<1x16xf32>,
      %swap3A_397 = arith.constant 32 : i32
      %swap3A_398 = arith.index_cast %swap3A_397 : i32 to index
      %swap3A_399 = arith.index_cast %mul3A_345 : i32 to index
      %swap3A_400 = tpu.vector_load %arg4[%swap3A_398, %swap3A_399] {strides = array<i32>} : memref<72x1024xf32, #tpu.memory_space<vmem>>, vector<1x16xf32>,
      %swap3A_401 = vector.shape_cast %swap3A_400 : vector<1x16xf32> to vector<16xf32>
      %swap3A_402 = vector.shape_cast %get3A_349 : vector<16xf32> to vector<1x16xf32>
      tpu.vector_store %arg4[%swap3A_398, %swap3A_399], %swap3A_402 {strides = array<i32>} : memref<72x1024xf32, #tpu.memory_space<vmem>>, vector<1x16xf32>,
      %swap3A_403 = arith.constant 33 : i32
      %swap3A_404 = arith.index_cast %swap3A_403 : i32 to index
      %swap3A_405 = arith.index_cast %mul3A_345 : i32 to index
      %swap3A_406 = tpu.vector_load %arg4[%swap3A_404, %swap3A_405] {strides = array<i32>} : memref<72x1024xf32, #tpu.memory_space<vmem>>, vector<1x16xf32>,
      %swap3A_407 = vector.shape_cast %swap3A_406 : vector<1x16xf32> to vector<16xf32>
      %swap3A_408 = vector.shape_cast %get3A_349 : vector<16xf32> to vector<1x16xf32>
      tpu.vector_store %arg4[%swap3A_404, %swap3A_405], %swap3A_408 {strides = array<i32>} : memref<72x1024xf32, #tpu.memory_space<vmem>>, vector<1x16xf32>,
      %swap3A_409 = arith.constant 34 : i32
      %swap3A_410 = arith.index_cast %swap3A_409 : i32 to index
      %swap3A_411 = arith.index_cast %mul3A_345 : i32 to index
      %swap3A_412 = tpu.vector_load %arg4[%swap3A_410, %swap3A_411] {strides = array<i32>} : memref<72x1024xf32, #tpu.memory_space<vmem>>, vector<1x16xf32>,
      %swap3A_413 = vector.shape_cast %swap3A_412 : vector<1x16xf32> to vector<16xf32>
      %swap3A_414 = vector.shape_cast %get3A_349 : vector<16xf32> to vector<1x16xf32>
      tpu.vector_store %arg4[%swap3A_410, %swap3A_411], %swap3A_414 {strides = array<i32>} : memref<72x1024xf32, #tpu.memory_space<vmem>>, vector<1x16xf32>,
      %swap3A_415 = arith.constant 35 : i32
      %swap3A_416 = arith.index_cast %swap3A_415 : i32 to index
      %swap3A_417 = arith.index_cast %mul3A_345 : i32 to index
      %swap3A_418 = tpu.vector_load %arg4[%swap3A_416, %swap3A_417] {strides = array<i32>} : memref<72x1024xf32, #tpu.memory_space<vmem>>, vector<1x16xf32>,
      %swap3A_419 = vector.shape_cast %swap3A_418 : vector<1x16xf32> to vector<16xf32>
      %swap3A_420 = vector.shape_cast %get3A_349 : vector<16xf32> to vector<1x16xf32>
      tpu.vector_store %arg4[%swap3A_416, %swap3A_417], %swap3A_420 {strides = array<i32>} : memref<72x1024xf32, #tpu.memory_space<vmem>>, vector<1x16xf32>,
      %swap3A_421 = arith.constant 36 : i32
      %swap3A_422 = arith.index_cast %swap3A_421 : i32 to index
      %swap3A_423 = arith.index_cast %mul3A_345 : i32 to index
      %swap3A_424 = tpu.vector_load %arg4[%swap3A_422, %swap3A_423] {strides = array<i32>} : memref<72x1024xf32, #tpu.memory_space<vmem>>, vector<1x16xf32>,
      %swap3A_425 = vector.shape_cast %swap3A_424 : vector<1x16xf32> to vector<16xf32>
      %swap3A_426 = vector.shape_cast %get3A_349 : vector<16xf32> to vector<1x16xf32>
      tpu.vector_store %arg4[%swap3A_422, %swap3A_423], %swap3A_426 {strides = array<i32>} : memref<72x1024xf32, #tpu.memory_space<vmem>>, vector<1x16xf32>,
      %swap3A_427 = arith.constant 37 : i32
      %swap3A_428 = arith.index_cast %swap3A_427 : i32 to index
      %swap3A_429 = arith.index_cast %mul3A_345 : i32 to index
      %swap3A_430 = tpu.vector_load %arg4[%swap3A_428, %swap3A_429] {strides = array<i32>} : memref<72x1024xf32, #tpu.memory_space<vmem>>, vector<1x16xf32>,
      %swap3A_431 = vector.shape_cast %swap3A_430 : vector<1x16xf32> to vector<16xf32>
      %swap3A_432 = vector.shape_cast %get3A_349 : vector<16xf32> to vector<1x16xf32>
      tpu.vector_store %arg4[%swap3A_428, %swap3A_429], %swap3A_432 {strides = array<i32>} : memref<72x1024xf32, #tpu.memory_space<vmem>>, vector<1x16xf32>,
      %swap3A_433 = arith.constant 38 : i32
      %swap3A_434 = arith.index_cast %swap3A_433 : i32 to index
      %swap3A_435 = arith.index_cast %mul3A_345 : i32 to index
      %swap3A_436 = tpu.vector_load %arg4[%swap3A_434, %swap3A_435] {strides = array<i32>} : memref<72x1024xf32, #tpu.memory_space<vmem>>, vector<1x16xf32>,
      %swap3A_437 = vector.shape_cast %swap3A_436 : vector<1x16xf32> to vector<16xf32>
      %swap3A_438 = vector.shape_cast %get3A_349 : vector<16xf32> to vector<1x16xf32>
      tpu.vector_store %arg4[%swap3A_434, %swap3A_435], %swap3A_438 {strides = array<i32>} : memref<72x1024xf32, #tpu.memory_space<vmem>>, vector<1x16xf32>,
      %swap3A_439 = arith.constant 39 : i32
      %swap3A_440 = arith.index_cast %swap3A_439 : i32 to index
      %swap3A_441 = arith.index_cast %mul3A_345 : i32 to index
      %swap3A_442 = tpu.vector_load %arg4[%swap3A_440, %swap3A_441] {strides = array<i32>} : memref<72x1024xf32, #tpu.memory_space<vmem>>, vector<1x16xf32>,
      %swap3A_443 = vector.shape_cast %swap3A_442 : vector<1x16xf32> to vector<16xf32>
      %swap3A_444 = vector.shape_cast %get3A_349 : vector<16xf32> to vector<1x16xf32>
      tpu.vector_store %arg4[%swap3A_440, %swap3A_441], %swap3A_444 {strides = array<i32>} : memref<72x1024xf32, #tpu.memory_space<vmem>>, vector<1x16xf32>,
    }
    %scan3A_106 = arith.constant 64 : i32
    %add3A_107 = arith.constant 24 : i32
    %add3A_108 = arith.addi %mul3A_2, %add3A_107 : i32
    %dma_start3A_109 = arith.constant 8 : i32
    %dma_start3A_110 = arith.constant 0 : i32
    %dma_start3A_111 = tpu.memref_slice %arg4[%dma_start3A_109, %dma_start3A_110] : memref<72x1024xf32, #tpu.memory_space<vmem>> -> memref<32x1024xf32, #tpu.memory_space<vmem>>
    %dma_start3A_112 = arith.constant 0 : i32
    %dma_start3A_113 = tpu.memref_slice %arg3[%add3A_108, %dma_start3A_112] : memref<16384x1024xf32, #tpu.memory_space<hbm>> -> memref<32x1024xf32, #tpu.memory_space<hbm>>
    %dma_start3A_114 = arith.constant 0 : i32
    %dma_start3A_115 = tpu.memref_slice %arg3[%add3A_108, %dma_start3A_114] : memref<16384x1024xf32, #tpu.memory_space<hbm>> -> memref<32x1024xf32, #tpu.memory_space<hbm>>
    %dma_start3A_116 = arith.constant 8 : i32
    %dma_start3A_117 = arith.constant 0 : i32
    %dma_start3A_118 = tpu.memref_slice %arg4[%dma_start3A_116, %dma_start3A_117] : memref<72x1024xf32, #tpu.memory_space<vmem>> -> memref<32x1024xf32, #tpu.memory_space<vmem>>
    tpu.enqueue_dma source(%dma_start3A_118 : memref<32x1024xf32, #tpu.memory_space<vmem>>) target(%dma_start3A_115 : memref<32x1024xf32, #tpu.memory_space<hbm>>) target_semaphore(%arg6 : memref<!tpu.dma_semaphore, #tpu.memory_space<semaphore_mem>>)
    %scan3A_119 = arith.constant 0 : i32
    %scan3A_120 = arith.constant 0 : i32
    %scan3A_121 = arith.constant 64 : i32
    %scan3A_122 = arith.addi %scan3A_120, %scan3A_121 : i32
    %scan3A_123 = arith.constant 1 : i32
    scf.for %scan3A_343 = %scan3A_120 to %scan3A_122 step %scan3A_123  : i32 {
      %mul3A_344 = arith.constant 16 : i32
      %mul3A_345 = arith.muli %scan3A_343, %mul3A_344 : i32
      %get3A = arith.constant 8 : i32
      %get3A_346 = arith.index_cast %get3A : i32 to index
      %get3A_347 = arith.index_cast %mul3A_345 : i32 to index
      %get3A_348 = tpu.vector_load %arg4[%get3A_346, %get3A_347] {strides = array<i32>} : memref<72x1024xf32, #tpu.memory_space<vmem>>, vector<1x16xf32>,
      %get3A_349 = vector.shape_cast %get3A_348 : vector<1x16xf32> to vector<16xf32>
      %swap3A = arith.constant 40 : i32
      %swap3A_350 = arith.index_cast %swap3A : i32 to index
      %swap3A_351 = arith.index_cast %mul3A_345 : i32 to index
      %swap3A_352 = tpu.vector_load %arg4[%swap3A_350, %swap3A_351] {strides = array<i32>} : memref<72x1024xf32, #tpu.memory_space<vmem>>, vector<1x16xf32>,
      %swap3A_353 = vector.shape_cast %swap3A_352 : vector<1x16xf32> to vector<16xf32>
      %swap3A_354 = vector.shape_cast %get3A_349 : vector<16xf32> to vector<1x16xf32>
      tpu.vector_store %arg4[%swap3A_350, %swap3A_351], %swap3A_354 {strides = array<i32>} : memref<72x1024xf32, #tpu.memory_space<vmem>>, vector<1x16xf32>,
      %swap3A_355 = arith.constant 41 : i32
      %swap3A_356 = arith.index_cast %swap3A_355 : i32 to index
      %swap3A_357 = arith.index_cast %mul3A_345 : i32 to index
      %swap3A_358 = tpu.vector_load %arg4[%swap3A_356, %swap3A_357] {strides = array<i32>} : memref<72x1024xf32, #tpu.memory_space<vmem>>, vector<1x16xf32>,
      %swap3A_359 = vector.shape_cast %swap3A_358 : vector<1x16xf32> to vector<16xf32>
      %swap3A_360 = vector.shape_cast %get3A_349 : vector<16xf32> to vector<1x16xf32>
      tpu.vector_store %arg4[%swap3A_356, %swap3A_357], %swap3A_360 {strides = array<i32>} : memref<72x1024xf32, #tpu.memory_space<vmem>>, vector<1x16xf32>,
      %swap3A_361 = arith.constant 42 : i32
      %swap3A_362 = arith.index_cast %swap3A_361 : i32 to index
      %swap3A_363 = arith.index_cast %mul3A_345 : i32 to index
      %swap3A_364 = tpu.vector_load %arg4[%swap3A_362, %swap3A_363] {strides = array<i32>} : memref<72x1024xf32, #tpu.memory_space<vmem>>, vector<1x16xf32>,
      %swap3A_365 = vector.shape_cast %swap3A_364 : vector<1x16xf32> to vector<16xf32>
      %swap3A_366 = vector.shape_cast %get3A_349 : vector<16xf32> to vector<1x16xf32>
      tpu.vector_store %arg4[%swap3A_362, %swap3A_363], %swap3A_366 {strides = array<i32>} : memref<72x1024xf32, #tpu.memory_space<vmem>>, vector<1x16xf32>,
      %swap3A_367 = arith.constant 43 : i32
      %swap3A_368 = arith.index_cast %swap3A_367 : i32 to index
      %swap3A_369 = arith.index_cast %mul3A_345 : i32 to index
      %swap3A_370 = tpu.vector_load %arg4[%swap3A_368, %swap3A_369] {strides = array<i32>} : memref<72x1024xf32, #tpu.memory_space<vmem>>, vector<1x16xf32>,
      %swap3A_371 = vector.shape_cast %swap3A_370 : vector<1x16xf32> to vector<16xf32>
      %swap3A_372 = vector.shape_cast %get3A_349 : vector<16xf32> to vector<1x16xf32>
      tpu.vector_store %arg4[%swap3A_368, %swap3A_369], %swap3A_372 {strides = array<i32>} : memref<72x1024xf32, #tpu.memory_space<vmem>>, vector<1x16xf32>,
      %swap3A_373 = arith.constant 44 : i32
      %swap3A_374 = arith.index_cast %swap3A_373 : i32 to index
      %swap3A_375 = arith.index_cast %mul3A_345 : i32 to index
      %swap3A_376 = tpu.vector_load %arg4[%swap3A_374, %swap3A_375] {strides = array<i32>} : memref<72x1024xf32, #tpu.memory_space<vmem>>, vector<1x16xf32>,
      %swap3A_377 = vector.shape_cast %swap3A_376 : vector<1x16xf32> to vector<16xf32>
      %swap3A_378 = vector.shape_cast %get3A_349 : vector<16xf32> to vector<1x16xf32>
      tpu.vector_store %arg4[%swap3A_374, %swap3A_375], %swap3A_378 {strides = array<i32>} : memref<72x1024xf32, #tpu.memory_space<vmem>>, vector<1x16xf32>,
      %swap3A_379 = arith.constant 45 : i32
      %swap3A_380 = arith.index_cast %swap3A_379 : i32 to index
      %swap3A_381 = arith.index_cast %mul3A_345 : i32 to index
      %swap3A_382 = tpu.vector_load %arg4[%swap3A_380, %swap3A_381] {strides = array<i32>} : memref<72x1024xf32, #tpu.memory_space<vmem>>, vector<1x16xf32>,
      %swap3A_383 = vector.shape_cast %swap3A_382 : vector<1x16xf32> to vector<16xf32>
      %swap3A_384 = vector.shape_cast %get3A_349 : vector<16xf32> to vector<1x16xf32>
      tpu.vector_store %arg4[%swap3A_380, %swap3A_381], %swap3A_384 {strides = array<i32>} : memref<72x1024xf32, #tpu.memory_space<vmem>>, vector<1x16xf32>,
      %swap3A_385 = arith.constant 46 : i32
      %swap3A_386 = arith.index_cast %swap3A_385 : i32 to index
      %swap3A_387 = arith.index_cast %mul3A_345 : i32 to index
      %swap3A_388 = tpu.vector_load %arg4[%swap3A_386, %swap3A_387] {strides = array<i32>} : memref<72x1024xf32, #tpu.memory_space<vmem>>, vector<1x16xf32>,
      %swap3A_389 = vector.shape_cast %swap3A_388 : vector<1x16xf32> to vector<16xf32>
      %swap3A_390 = vector.shape_cast %get3A_349 : vector<16xf32> to vector<1x16xf32>
      tpu.vector_store %arg4[%swap3A_386, %swap3A_387], %swap3A_390 {strides = array<i32>} : memref<72x1024xf32, #tpu.memory_space<vmem>>, vector<1x16xf32>,
      %swap3A_391 = arith.constant 47 : i32
      %swap3A_392 = arith.index_cast %swap3A_391 : i32 to index
      %swap3A_393 = arith.index_cast %mul3A_345 : i32 to index
      %swap3A_394 = tpu.vector_load %arg4[%swap3A_392, %swap3A_393] {strides = array<i32>} : memref<72x1024xf32, #tpu.memory_space<vmem>>, vector<1x16xf32>,
      %swap3A_395 = vector.shape_cast %swap3A_394 : vector<1x16xf32> to vector<16xf32>
      %swap3A_396 = vector.shape_cast %get3A_349 : vector<16xf32> to vector<1x16xf32>
      tpu.vector_store %arg4[%swap3A_392, %swap3A_393], %swap3A_396 {strides = array<i32>} : memref<72x1024xf32, #tpu.memory_space<vmem>>, vector<1x16xf32>,
      %swap3A_397 = arith.constant 48 : i32
      %swap3A_398 = arith.index_cast %swap3A_397 : i32 to index
      %swap3A_399 = arith.index_cast %mul3A_345 : i32 to index
      %swap3A_400 = tpu.vector_load %arg4[%swap3A_398, %swap3A_399] {strides = array<i32>} : memref<72x1024xf32, #tpu.memory_space<vmem>>, vector<1x16xf32>,
      %swap3A_401 = vector.shape_cast %swap3A_400 : vector<1x16xf32> to vector<16xf32>
      %swap3A_402 = vector.shape_cast %get3A_349 : vector<16xf32> to vector<1x16xf32>
      tpu.vector_store %arg4[%swap3A_398, %swap3A_399], %swap3A_402 {strides = array<i32>} : memref<72x1024xf32, #tpu.memory_space<vmem>>, vector<1x16xf32>,
      %swap3A_403 = arith.constant 49 : i32
      %swap3A_404 = arith.index_cast %swap3A_403 : i32 to index
      %swap3A_405 = arith.index_cast %mul3A_345 : i32 to index
      %swap3A_406 = tpu.vector_load %arg4[%swap3A_404, %swap3A_405] {strides = array<i32>} : memref<72x1024xf32, #tpu.memory_space<vmem>>, vector<1x16xf32>,
      %swap3A_407 = vector.shape_cast %swap3A_406 : vector<1x16xf32> to vector<16xf32>
      %swap3A_408 = vector.shape_cast %get3A_349 : vector<16xf32> to vector<1x16xf32>
      tpu.vector_store %arg4[%swap3A_404, %swap3A_405], %swap3A_408 {strides = array<i32>} : memref<72x1024xf32, #tpu.memory_space<vmem>>, vector<1x16xf32>,
      %swap3A_409 = arith.constant 50 : i32
      %swap3A_410 = arith.index_cast %swap3A_409 : i32 to index
      %swap3A_411 = arith.index_cast %mul3A_345 : i32 to index
      %swap3A_412 = tpu.vector_load %arg4[%swap3A_410, %swap3A_411] {strides = array<i32>} : memref<72x1024xf32, #tpu.memory_space<vmem>>, vector<1x16xf32>,
      %swap3A_413 = vector.shape_cast %swap3A_412 : vector<1x16xf32> to vector<16xf32>
      %swap3A_414 = vector.shape_cast %get3A_349 : vector<16xf32> to vector<1x16xf32>
      tpu.vector_store %arg4[%swap3A_410, %swap3A_411], %swap3A_414 {strides = array<i32>} : memref<72x1024xf32, #tpu.memory_space<vmem>>, vector<1x16xf32>,
      %swap3A_415 = arith.constant 51 : i32
      %swap3A_416 = arith.index_cast %swap3A_415 : i32 to index
      %swap3A_417 = arith.index_cast %mul3A_345 : i32 to index
      %swap3A_418 = tpu.vector_load %arg4[%swap3A_416, %swap3A_417] {strides = array<i32>} : memref<72x1024xf32, #tpu.memory_space<vmem>>, vector<1x16xf32>,
      %swap3A_419 = vector.shape_cast %swap3A_418 : vector<1x16xf32> to vector<16xf32>
      %swap3A_420 = vector.shape_cast %get3A_349 : vector<16xf32> to vector<1x16xf32>
      tpu.vector_store %arg4[%swap3A_416, %swap3A_417], %swap3A_420 {strides = array<i32>} : memref<72x1024xf32, #tpu.memory_space<vmem>>, vector<1x16xf32>,
      %swap3A_421 = arith.constant 52 : i32
      %swap3A_422 = arith.index_cast %swap3A_421 : i32 to index
      %swap3A_423 = arith.index_cast %mul3A_345 : i32 to index
      %swap3A_424 = tpu.vector_load %arg4[%swap3A_422, %swap3A_423] {strides = array<i32>} : memref<72x1024xf32, #tpu.memory_space<vmem>>, vector<1x16xf32>,
      %swap3A_425 = vector.shape_cast %swap3A_424 : vector<1x16xf32> to vector<16xf32>
      %swap3A_426 = vector.shape_cast %get3A_349 : vector<16xf32> to vector<1x16xf32>
      tpu.vector_store %arg4[%swap3A_422, %swap3A_423], %swap3A_426 {strides = array<i32>} : memref<72x1024xf32, #tpu.memory_space<vmem>>, vector<1x16xf32>,
      %swap3A_427 = arith.constant 53 : i32
      %swap3A_428 = arith.index_cast %swap3A_427 : i32 to index
      %swap3A_429 = arith.index_cast %mul3A_345 : i32 to index
      %swap3A_430 = tpu.vector_load %arg4[%swap3A_428, %swap3A_429] {strides = array<i32>} : memref<72x1024xf32, #tpu.memory_space<vmem>>, vector<1x16xf32>,
      %swap3A_431 = vector.shape_cast %swap3A_430 : vector<1x16xf32> to vector<16xf32>
      %swap3A_432 = vector.shape_cast %get3A_349 : vector<16xf32> to vector<1x16xf32>
      tpu.vector_store %arg4[%swap3A_428, %swap3A_429], %swap3A_432 {strides = array<i32>} : memref<72x1024xf32, #tpu.memory_space<vmem>>, vector<1x16xf32>,
      %swap3A_433 = arith.constant 54 : i32
      %swap3A_434 = arith.index_cast %swap3A_433 : i32 to index
      %swap3A_435 = arith.index_cast %mul3A_345 : i32 to index
      %swap3A_436 = tpu.vector_load %arg4[%swap3A_434, %swap3A_435] {strides = array<i32>} : memref<72x1024xf32, #tpu.memory_space<vmem>>, vector<1x16xf32>,
      %swap3A_437 = vector.shape_cast %swap3A_436 : vector<1x16xf32> to vector<16xf32>
      %swap3A_438 = vector.shape_cast %get3A_349 : vector<16xf32> to vector<1x16xf32>
      tpu.vector_store %arg4[%swap3A_434, %swap3A_435], %swap3A_438 {strides = array<i32>} : memref<72x1024xf32, #tpu.memory_space<vmem>>, vector<1x16xf32>,
      %swap3A_439 = arith.constant 55 : i32
      %swap3A_440 = arith.index_cast %swap3A_439 : i32 to index
      %swap3A_441 = arith.index_cast %mul3A_345 : i32 to index
      %swap3A_442 = tpu.vector_load %arg4[%swap3A_440, %swap3A_441] {strides = array<i32>} : memref<72x1024xf32, #tpu.memory_space<vmem>>, vector<1x16xf32>,
      %swap3A_443 = vector.shape_cast %swap3A_442 : vector<1x16xf32> to vector<16xf32>
      %swap3A_444 = vector.shape_cast %get3A_349 : vector<16xf32> to vector<1x16xf32>
      tpu.vector_store %arg4[%swap3A_440, %swap3A_441], %swap3A_444 {strides = array<i32>} : memref<72x1024xf32, #tpu.memory_space<vmem>>, vector<1x16xf32>,
      %swap3A_445 = arith.constant 56 : i32
      %swap3A_446 = arith.index_cast %swap3A_445 : i32 to index
      %swap3A_447 = arith.index_cast %mul3A_345 : i32 to index
      %swap3A_448 = tpu.vector_load %arg4[%swap3A_446, %swap3A_447] {strides = array<i32>} : memref<72x1024xf32, #tpu.memory_space<vmem>>, vector<1x16xf32>,
      %swap3A_449 = vector.shape_cast %swap3A_448 : vector<1x16xf32> to vector<16xf32>
      %swap3A_450 = vector.shape_cast %get3A_349 : vector<16xf32> to vector<1x16xf32>
      tpu.vector_store %arg4[%swap3A_446, %swap3A_447], %swap3A_450 {strides = array<i32>} : memref<72x1024xf32, #tpu.memory_space<vmem>>, vector<1x16xf32>,
      %swap3A_451 = arith.constant 57 : i32
      %swap3A_452 = arith.index_cast %swap3A_451 : i32 to index
      %swap3A_453 = arith.index_cast %mul3A_345 : i32 to index
      %swap3A_454 = tpu.vector_load %arg4[%swap3A_452, %swap3A_453] {strides = array<i32>} : memref<72x1024xf32, #tpu.memory_space<vmem>>, vector<1x16xf32>,
      %swap3A_455 = vector.shape_cast %swap3A_454 : vector<1x16xf32> to vector<16xf32>
      %swap3A_456 = vector.shape_cast %get3A_349 : vector<16xf32> to vector<1x16xf32>
      tpu.vector_store %arg4[%swap3A_452, %swap3A_453], %swap3A_456 {strides = array<i32>} : memref<72x1024xf32, #tpu.memory_space<vmem>>, vector<1x16xf32>,
      %swap3A_457 = arith.constant 58 : i32
      %swap3A_458 = arith.index_cast %swap3A_457 : i32 to index
      %swap3A_459 = arith.index_cast %mul3A_345 : i32 to index
      %swap3A_460 = tpu.vector_load %arg4[%swap3A_458, %swap3A_459] {strides = array<i32>} : memref<72x1024xf32, #tpu.memory_space<vmem>>, vector<1x16xf32>,
      %swap3A_461 = vector.shape_cast %swap3A_460 : vector<1x16xf32> to vector<16xf32>
      %swap3A_462 = vector.shape_cast %get3A_349 : vector<16xf32> to vector<1x16xf32>
      tpu.vector_store %arg4[%swap3A_458, %swap3A_459], %swap3A_462 {strides = array<i32>} : memref<72x1024xf32, #tpu.memory_space<vmem>>, vector<1x16xf32>,
      %swap3A_463 = arith.constant 59 : i32
      %swap3A_464 = arith.index_cast %swap3A_463 : i32 to index
      %swap3A_465 = arith.index_cast %mul3A_345 : i32 to index
      %swap3A_466 = tpu.vector_load %arg4[%swap3A_464, %swap3A_465] {strides = array<i32>} : memref<72x1024xf32, #tpu.memory_space<vmem>>, vector<1x16xf32>,
      %swap3A_467 = vector.shape_cast %swap3A_466 : vector<1x16xf32> to vector<16xf32>
      %swap3A_468 = vector.shape_cast %get3A_349 : vector<16xf32> to vector<1x16xf32>
      tpu.vector_store %arg4[%swap3A_464, %swap3A_465], %swap3A_468 {strides = array<i32>} : memref<72x1024xf32, #tpu.memory_space<vmem>>, vector<1x16xf32>,
      %swap3A_469 = arith.constant 60 : i32
      %swap3A_470 = arith.index_cast %swap3A_469 : i32 to index
      %swap3A_471 = arith.index_cast %mul3A_345 : i32 to index
      %swap3A_472 = tpu.vector_load %arg4[%swap3A_470, %swap3A_471] {strides = array<i32>} : memref<72x1024xf32, #tpu.memory_space<vmem>>, vector<1x16xf32>,
      %swap3A_473 = vector.shape_cast %swap3A_472 : vector<1x16xf32> to vector<16xf32>
      %swap3A_474 = vector.shape_cast %get3A_349 : vector<16xf32> to vector<1x16xf32>
      tpu.vector_store %arg4[%swap3A_470, %swap3A_471], %swap3A_474 {strides = array<i32>} : memref<72x1024xf32, #tpu.memory_space<vmem>>, vector<1x16xf32>,
      %swap3A_475 = arith.constant 61 : i32
      %swap3A_476 = arith.index_cast %swap3A_475 : i32 to index
      %swap3A_477 = arith.index_cast %mul3A_345 : i32 to index
      %swap3A_478 = tpu.vector_load %arg4[%swap3A_476, %swap3A_477] {strides = array<i32>} : memref<72x1024xf32, #tpu.memory_space<vmem>>, vector<1x16xf32>,
      %swap3A_479 = vector.shape_cast %swap3A_478 : vector<1x16xf32> to vector<16xf32>
      %swap3A_480 = vector.shape_cast %get3A_349 : vector<16xf32> to vector<1x16xf32>
      tpu.vector_store %arg4[%swap3A_476, %swap3A_477], %swap3A_480 {strides = array<i32>} : memref<72x1024xf32, #tpu.memory_space<vmem>>, vector<1x16xf32>,
      %swap3A_481 = arith.constant 62 : i32
      %swap3A_482 = arith.index_cast %swap3A_481 : i32 to index
      %swap3A_483 = arith.index_cast %mul3A_345 : i32 to index
      %swap3A_484 = tpu.vector_load %arg4[%swap3A_482, %swap3A_483] {strides = array<i32>} : memref<72x1024xf32, #tpu.memory_space<vmem>>, vector<1x16xf32>,
      %swap3A_485 = vector.shape_cast %swap3A_484 : vector<1x16xf32> to vector<16xf32>
      %swap3A_486 = vector.shape_cast %get3A_349 : vector<16xf32> to vector<1x16xf32>
      tpu.vector_store %arg4[%swap3A_482, %swap3A_483], %swap3A_486 {strides = array<i32>} : memref<72x1024xf32, #tpu.memory_space<vmem>>, vector<1x16xf32>,
      %swap3A_487 = arith.constant 63 : i32
      %swap3A_488 = arith.index_cast %swap3A_487 : i32 to index
      %swap3A_489 = arith.index_cast %mul3A_345 : i32 to index
      %swap3A_490 = tpu.vector_load %arg4[%swap3A_488, %swap3A_489] {strides = array<i32>} : memref<72x1024xf32, #tpu.memory_space<vmem>>, vector<1x16xf32>,
      %swap3A_491 = vector.shape_cast %swap3A_490 : vector<1x16xf32> to vector<16xf32>
      %swap3A_492 = vector.shape_cast %get3A_349 : vector<16xf32> to vector<1x16xf32>
      tpu.vector_store %arg4[%swap3A_488, %swap3A_489], %swap3A_492 {strides = array<i32>} : memref<72x1024xf32, #tpu.memory_space<vmem>>, vector<1x16xf32>,
      %swap3A_493 = arith.constant 64 : i32
      %swap3A_494 = arith.index_cast %swap3A_493 : i32 to index
      %swap3A_495 = arith.index_cast %mul3A_345 : i32 to index
      %swap3A_496 = tpu.vector_load %arg4[%swap3A_494, %swap3A_495] {strides = array<i32>} : memref<72x1024xf32, #tpu.memory_space<vmem>>, vector<1x16xf32>,
      %swap3A_497 = vector.shape_cast %swap3A_496 : vector<1x16xf32> to vector<16xf32>
      %swap3A_498 = vector.shape_cast %get3A_349 : vector<16xf32> to vector<1x16xf32>
      tpu.vector_store %arg4[%swap3A_494, %swap3A_495], %swap3A_498 {strides = array<i32>} : memref<72x1024xf32, #tpu.memory_space<vmem>>, vector<1x16xf32>,
      %swap3A_499 = arith.constant 65 : i32
      %swap3A_500 = arith.index_cast %swap3A_499 : i32 to index
      %swap3A_501 = arith.index_cast %mul3A_345 : i32 to index
      %swap3A_502 = tpu.vector_load %arg4[%swap3A_500, %swap3A_501] {strides = array<i32>} : memref<72x1024xf32, #tpu.memory_space<vmem>>, vector<1x16xf32>,
      %swap3A_503 = vector.shape_cast %swap3A_502 : vector<1x16xf32> to vector<16xf32>
      %swap3A_504 = vector.shape_cast %get3A_349 : vector<16xf32> to vector<1x16xf32>
      tpu.vector_store %arg4[%swap3A_500, %swap3A_501], %swap3A_504 {strides = array<i32>} : memref<72x1024xf32, #tpu.memory_space<vmem>>, vector<1x16xf32>,
      %swap3A_505 = arith.constant 66 : i32
      %swap3A_506 = arith.index_cast %swap3A_505 : i32 to index
      %swap3A_507 = arith.index_cast %mul3A_345 : i32 to index
      %swap3A_508 = tpu.vector_load %arg4[%swap3A_506, %swap3A_507] {strides = array<i32>} : memref<72x1024xf32, #tpu.memory_space<vmem>>, vector<1x16xf32>,
      %swap3A_509 = vector.shape_cast %swap3A_508 : vector<1x16xf32> to vector<16xf32>
      %swap3A_510 = vector.shape_cast %get3A_349 : vector<16xf32> to vector<1x16xf32>
      tpu.vector_store %arg4[%swap3A_506, %swap3A_507], %swap3A_510 {strides = array<i32>} : memref<72x1024xf32, #tpu.memory_space<vmem>>, vector<1x16xf32>,
      %swap3A_511 = arith.constant 67 : i32
      %swap3A_512 = arith.index_cast %swap3A_511 : i32 to index
      %swap3A_513 = arith.index_cast %mul3A_345 : i32 to index
      %swap3A_514 = tpu.vector_load %arg4[%swap3A_512, %swap3A_513] {strides = array<i32>} : memref<72x1024xf32, #tpu.memory_space<vmem>>, vector<1x16xf32>,
      %swap3A_515 = vector.shape_cast %swap3A_514 : vector<1x16xf32> to vector<16xf32>
      %swap3A_516 = vector.shape_cast %get3A_349 : vector<16xf32> to vector<1x16xf32>
      tpu.vector_store %arg4[%swap3A_512, %swap3A_513], %swap3A_516 {strides = array<i32>} : memref<72x1024xf32, #tpu.memory_space<vmem>>, vector<1x16xf32>,
      %swap3A_517 = arith.constant 68 : i32
      %swap3A_518 = arith.index_cast %swap3A_517 : i32 to index
      %swap3A_519 = arith.index_cast %mul3A_345 : i32 to index
      %swap3A_520 = tpu.vector_load %arg4[%swap3A_518, %swap3A_519] {strides = array<i32>} : memref<72x1024xf32, #tpu.memory_space<vmem>>, vector<1x16xf32>,
      %swap3A_521 = vector.shape_cast %swap3A_520 : vector<1x16xf32> to vector<16xf32>
      %swap3A_522 = vector.shape_cast %get3A_349 : vector<16xf32> to vector<1x16xf32>
      tpu.vector_store %arg4[%swap3A_518, %swap3A_519], %swap3A_522 {strides = array<i32>} : memref<72x1024xf32, #tpu.memory_space<vmem>>, vector<1x16xf32>,
      %swap3A_523 = arith.constant 69 : i32
      %swap3A_524 = arith.index_cast %swap3A_523 : i32 to index
      %swap3A_525 = arith.index_cast %mul3A_345 : i32 to index
      %swap3A_526 = tpu.vector_load %arg4[%swap3A_524, %swap3A_525] {strides = array<i32>} : memref<72x1024xf32, #tpu.memory_space<vmem>>, vector<1x16xf32>,
      %swap3A_527 = vector.shape_cast %swap3A_526 : vector<1x16xf32> to vector<16xf32>
      %swap3A_528 = vector.shape_cast %get3A_349 : vector<16xf32> to vector<1x16xf32>
      tpu.vector_store %arg4[%swap3A_524, %swap3A_525], %swap3A_528 {strides = array<i32>} : memref<72x1024xf32, #tpu.memory_space<vmem>>, vector<1x16xf32>,
      %swap3A_529 = arith.constant 70 : i32
      %swap3A_530 = arith.index_cast %swap3A_529 : i32 to index
      %swap3A_531 = arith.index_cast %mul3A_345 : i32 to index
      %swap3A_532 = tpu.vector_load %arg4[%swap3A_530, %swap3A_531] {strides = array<i32>} : memref<72x1024xf32, #tpu.memory_space<vmem>>, vector<1x16xf32>,
      %swap3A_533 = vector.shape_cast %swap3A_532 : vector<1x16xf32> to vector<16xf32>
      %swap3A_534 = vector.shape_cast %get3A_349 : vector<16xf32> to vector<1x16xf32>
      tpu.vector_store %arg4[%swap3A_530, %swap3A_531], %swap3A_534 {strides = array<i32>} : memref<72x1024xf32, #tpu.memory_space<vmem>>, vector<1x16xf32>,
      %swap3A_535 = arith.constant 71 : i32
      %swap3A_536 = arith.index_cast %swap3A_535 : i32 to index
      %swap3A_537 = arith.index_cast %mul3A_345 : i32 to index
      %swap3A_538 = tpu.vector_load %arg4[%swap3A_536, %swap3A_537] {strides = array<i32>} : memref<72x1024xf32, #tpu.memory_space<vmem>>, vector<1x16xf32>,
      %swap3A_539 = vector.shape_cast %swap3A_538 : vector<1x16xf32> to vector<16xf32>
      %swap3A_540 = vector.shape_cast %get3A_349 : vector<16xf32> to vector<1x16xf32>
      tpu.vector_store %arg4[%swap3A_536, %swap3A_537], %swap3A_540 {strides = array<i32>} : memref<72x1024xf32, #tpu.memory_space<vmem>>, vector<1x16xf32>,
    }
    %scan3A_124 = arith.constant 64 : i32
    %add3A_125 = arith.constant 56 : i32
    %add3A_126 = arith.addi %mul3A_2, %add3A_125 : i32
    %dma_start3A_127 = arith.constant 8 : i32
    %dma_start3A_128 = arith.constant 0 : i32
    %dma_start3A_129 = tpu.memref_slice %arg4[%dma_start3A_127, %dma_start3A_128] : memref<72x1024xf32, #tpu.memory_space<vmem>> -> memref<64x1024xf32, #tpu.memory_space<vmem>>
    %dma_start3A_130 = arith.constant 0 : i32
    %dma_start3A_131 = tpu.memref_slice %arg3[%add3A_126, %dma_start3A_130] : memref<16384x1024xf32, #tpu.memory_space<hbm>> -> memref<64x1024xf32, #tpu.memory_space<hbm>>
    %dma_start3A_132 = arith.constant 0 : i32
    %dma_start3A_133 = tpu.memref_slice %arg3[%add3A_126, %dma_start3A_132] : memref<16384x1024xf32, #tpu.memory_space<hbm>> -> memref<64x1024xf32, #tpu.memory_space<hbm>>
    %dma_start3A_134 = arith.constant 8 : i32
    %dma_start3A_135 = arith.constant 0 : i32
    %dma_start3A_136 = tpu.memref_slice %arg4[%dma_start3A_134, %dma_start3A_135] : memref<72x1024xf32, #tpu.memory_space<vmem>> -> memref<64x1024xf32, #tpu.memory_space<vmem>>
    tpu.enqueue_dma source(%dma_start3A_136 : memref<64x1024xf32, #tpu.memory_space<vmem>>) target(%dma_start3A_133 : memref<64x1024xf32, #tpu.memory_space<hbm>>) target_semaphore(%arg6 : memref<!tpu.dma_semaphore, #tpu.memory_space<semaphore_mem>>)
    %add3A_137 = arith.constant 120 : i32
    %add3A_138 = arith.addi %mul3A_2, %add3A_137 : i32
    %add3A_139 = arith.constant 0 : i32
    %add3A_140 = arith.addi %add3A_138, %add3A_139 : i32
    %dma_start3A_141 = arith.constant 8 : i32
    %dma_start3A_142 = arith.constant 0 : i32
    %dma_start3A_143 = tpu.memref_slice %arg4[%dma_start3A_141, %dma_start3A_142] : memref<72x1024xf32, #tpu.memory_space<vmem>> -> memref<64x1024xf32, #tpu.memory_space<vmem>>
    %dma_start3A_144 = arith.constant 0 : i32
    %dma_start3A_145 = tpu.memref_slice %arg3[%add3A_140, %dma_start3A_144] : memref<16384x1024xf32, #tpu.memory_space<hbm>> -> memref<64x1024xf32, #tpu.memory_space<hbm>>
    %dma_start3A_146 = arith.constant 0 : i32
    %dma_start3A_147 = tpu.memref_slice %arg3[%add3A_140, %dma_start3A_146] : memref<16384x1024xf32, #tpu.memory_space<hbm>> -> memref<64x1024xf32, #tpu.memory_space<hbm>>
    %dma_start3A_148 = arith.constant 8 : i32
    %dma_start3A_149 = arith.constant 0 : i32
    %dma_start3A_150 = tpu.memref_slice %arg4[%dma_start3A_148, %dma_start3A_149] : memref<72x1024xf32, #tpu.memory_space<vmem>> -> memref<64x1024xf32, #tpu.memory_space<vmem>>
    tpu.enqueue_dma source(%dma_start3A_150 : memref<64x1024xf32, #tpu.memory_space<vmem>>) target(%dma_start3A_147 : memref<64x1024xf32, #tpu.memory_space<hbm>>) target_semaphore(%arg6 : memref<!tpu.dma_semaphore, #tpu.memory_space<semaphore_mem>>)
    %add3A_151 = arith.constant 120 : i32
    %add3A_152 = arith.addi %mul3A_2, %add3A_151 : i32
    %add3A_153 = arith.constant 64 : i32
    %add3A_154 = arith.addi %add3A_152, %add3A_153 : i32
    %dma_start3A_155 = arith.constant 8 : i32
    %dma_start3A_156 = arith.constant 0 : i32
    %dma_start3A_157 = tpu.memref_slice %arg4[%dma_start3A_155, %dma_start3A_156] : memref<72x1024xf32, #tpu.memory_space<vmem>> -> memref<64x1024xf32, #tpu.memory_space<vmem>>
    %dma_start3A_158 = arith.constant 0 : i32
    %dma_start3A_159 = tpu.memref_slice %arg3[%add3A_154, %dma_start3A_158] : memref<16384x1024xf32, #tpu.memory_space<hbm>> -> memref<64x1024xf32, #tpu.memory_space<hbm>>
    %dma_start3A_160 = arith.constant 0 : i32
    %dma_start3A_161 = tpu.memref_slice %arg3[%add3A_154, %dma_start3A_160] : memref<16384x1024xf32, #tpu.memory_space<hbm>> -> memref<64x1024xf32, #tpu.memory_space<hbm>>
    %dma_start3A_162 = arith.constant 8 : i32
    %dma_start3A_163 = arith.constant 0 : i32
    %dma_start3A_164 = tpu.memref_slice %arg4[%dma_start3A_162, %dma_start3A_163] : memref<72x1024xf32, #tpu.memory_space<vmem>> -> memref<64x1024xf32, #tpu.memory_space<vmem>>
    tpu.enqueue_dma source(%dma_start3A_164 : memref<64x1024xf32, #tpu.memory_space<vmem>>) target(%dma_start3A_161 : memref<64x1024xf32, #tpu.memory_space<hbm>>) target_semaphore(%arg6 : memref<!tpu.dma_semaphore, #tpu.memory_space<semaphore_mem>>)
    %add3A_165 = arith.constant 120 : i32
    %add3A_166 = arith.addi %mul3A_2, %add3A_165 : i32
    %add3A_167 = arith.constant 128 : i32
    %add3A_168 = arith.addi %add3A_166, %add3A_167 : i32
    %dma_start3A_169 = arith.constant 8 : i32
    %dma_start3A_170 = arith.constant 0 : i32
    %dma_start3A_171 = tpu.memref_slice %arg4[%dma_start3A_169, %dma_start3A_170] : memref<72x1024xf32, #tpu.memory_space<vmem>> -> memref<64x1024xf32, #tpu.memory_space<vmem>>
    %dma_start3A_172 = arith.constant 0 : i32
    %dma_start3A_173 = tpu.memref_slice %arg3[%add3A_168, %dma_start3A_172] : memref<16384x1024xf32, #tpu.memory_space<hbm>> -> memref<64x1024xf32, #tpu.memory_space<hbm>>
    %dma_start3A_174 = arith.constant 0 : i32
    %dma_start3A_175 = tpu.memref_slice %arg3[%add3A_168, %dma_start3A_174] : memref<16384x1024xf32, #tpu.memory_space<hbm>> -> memref<64x1024xf32, #tpu.memory_space<hbm>>
    %dma_start3A_176 = arith.constant 8 : i32
    %dma_start3A_177 = arith.constant 0 : i32
    %dma_start3A_178 = tpu.memref_slice %arg4[%dma_start3A_176, %dma_start3A_177] : memref<72x1024xf32, #tpu.memory_space<vmem>> -> memref<64x1024xf32, #tpu.memory_space<vmem>>
    tpu.enqueue_dma source(%dma_start3A_178 : memref<64x1024xf32, #tpu.memory_space<vmem>>) target(%dma_start3A_175 : memref<64x1024xf32, #tpu.memory_space<hbm>>) target_semaphore(%arg6 : memref<!tpu.dma_semaphore, #tpu.memory_space<semaphore_mem>>)
    %add3A_179 = arith.constant 120 : i32
    %add3A_180 = arith.addi %mul3A_2, %add3A_179 : i32
    %add3A_181 = arith.constant 192 : i32
    %add3A_182 = arith.addi %add3A_180, %add3A_181 : i32
    %dma_start3A_183 = arith.constant 8 : i32
    %dma_start3A_184 = arith.constant 0 : i32
    %dma_start3A_185 = tpu.memref_slice %arg4[%dma_start3A_183, %dma_start3A_184] : memref<72x1024xf32, #tpu.memory_space<vmem>> -> memref<64x1024xf32, #tpu.memory_space<vmem>>
    %dma_start3A_186 = arith.constant 0 : i32
    %dma_start3A_187 = tpu.memref_slice %arg3[%add3A_182, %dma_start3A_186] : memref<16384x1024xf32, #tpu.memory_space<hbm>> -> memref<64x1024xf32, #tpu.memory_space<hbm>>
    %dma_start3A_188 = arith.constant 0 : i32
    %dma_start3A_189 = tpu.memref_slice %arg3[%add3A_182, %dma_start3A_188] : memref<16384x1024xf32, #tpu.memory_space<hbm>> -> memref<64x1024xf32, #tpu.memory_space<hbm>>
    %dma_start3A_190 = arith.constant 8 : i32
    %dma_start3A_191 = arith.constant 0 : i32
    %dma_start3A_192 = tpu.memref_slice %arg4[%dma_start3A_190, %dma_start3A_191] : memref<72x1024xf32, #tpu.memory_space<vmem>> -> memref<64x1024xf32, #tpu.memory_space<vmem>>
    tpu.enqueue_dma source(%dma_start3A_192 : memref<64x1024xf32, #tpu.memory_space<vmem>>) target(%dma_start3A_189 : memref<64x1024xf32, #tpu.memory_space<hbm>>) target_semaphore(%arg6 : memref<!tpu.dma_semaphore, #tpu.memory_space<semaphore_mem>>)
    %add3A_193 = arith.constant 120 : i32
    %add3A_194 = arith.addi %mul3A_2, %add3A_193 : i32
    %add3A_195 = arith.constant 256 : i32
    %add3A_196 = arith.addi %add3A_194, %add3A_195 : i32
    %dma_start3A_197 = arith.constant 8 : i32
    %dma_start3A_198 = arith.constant 0 : i32
    %dma_start3A_199 = tpu.memref_slice %arg4[%dma_start3A_197, %dma_start3A_198] : memref<72x1024xf32, #tpu.memory_space<vmem>> -> memref<64x1024xf32, #tpu.memory_space<vmem>>
    %dma_start3A_200 = arith.constant 0 : i32
    %dma_start3A_201 = tpu.memref_slice %arg3[%add3A_196, %dma_start3A_200] : memref<16384x1024xf32, #tpu.memory_space<hbm>> -> memref<64x1024xf32, #tpu.memory_space<hbm>>
    %dma_start3A_202 = arith.constant 0 : i32
    %dma_start3A_203 = tpu.memref_slice %arg3[%add3A_196, %dma_start3A_202] : memref<16384x1024xf32, #tpu.memory_space<hbm>> -> memref<64x1024xf32, #tpu.memory_space<hbm>>
    %dma_start3A_204 = arith.constant 8 : i32
    %dma_start3A_205 = arith.constant 0 : i32
    %dma_start3A_206 = tpu.memref_slice %arg4[%dma_start3A_204, %dma_start3A_205] : memref<72x1024xf32, #tpu.memory_space<vmem>> -> memref<64x1024xf32, #tpu.memory_space<vmem>>
    tpu.enqueue_dma source(%dma_start3A_206 : memref<64x1024xf32, #tpu.memory_space<vmem>>) target(%dma_start3A_203 : memref<64x1024xf32, #tpu.memory_space<hbm>>) target_semaphore(%arg6 : memref<!tpu.dma_semaphore, #tpu.memory_space<semaphore_mem>>)
    %add3A_207 = arith.constant 120 : i32
    %add3A_208 = arith.addi %mul3A_2, %add3A_207 : i32
    %add3A_209 = arith.constant 320 : i32
    %add3A_210 = arith.addi %add3A_208, %add3A_209 : i32
    %dma_start3A_211 = arith.constant 8 : i32
    %dma_start3A_212 = arith.constant 0 : i32
    %dma_start3A_213 = tpu.memref_slice %arg4[%dma_start3A_211, %dma_start3A_212] : memref<72x1024xf32, #tpu.memory_space<vmem>> -> memref<64x1024xf32, #tpu.memory_space<vmem>>
    %dma_start3A_214 = arith.constant 0 : i32
    %dma_start3A_215 = tpu.memref_slice %arg3[%add3A_210, %dma_start3A_214] : memref<16384x1024xf32, #tpu.memory_space<hbm>> -> memref<64x1024xf32, #tpu.memory_space<hbm>>
    %dma_start3A_216 = arith.constant 0 : i32
    %dma_start3A_217 = tpu.memref_slice %arg3[%add3A_210, %dma_start3A_216] : memref<16384x1024xf32, #tpu.memory_space<hbm>> -> memref<64x1024xf32, #tpu.memory_space<hbm>>
    %dma_start3A_218 = arith.constant 8 : i32
    %dma_start3A_219 = arith.constant 0 : i32
    %dma_start3A_220 = tpu.memref_slice %arg4[%dma_start3A_218, %dma_start3A_219] : memref<72x1024xf32, #tpu.memory_space<vmem>> -> memref<64x1024xf32, #tpu.memory_space<vmem>>
    tpu.enqueue_dma source(%dma_start3A_220 : memref<64x1024xf32, #tpu.memory_space<vmem>>) target(%dma_start3A_217 : memref<64x1024xf32, #tpu.memory_space<hbm>>) target_semaphore(%arg6 : memref<!tpu.dma_semaphore, #tpu.memory_space<semaphore_mem>>)
    %add3A_221 = arith.constant 504 : i32
    %add3A_222 = arith.addi %mul3A_2, %add3A_221 : i32
    %dma_start3A_223 = arith.constant 8 : i32
    %dma_start3A_224 = arith.constant 0 : i32
    %dma_start3A_225 = tpu.memref_slice %arg4[%dma_start3A_223, %dma_start3A_224] : memref<72x1024xf32, #tpu.memory_space<vmem>> -> memref<8x1024xf32, #tpu.memory_space<vmem>>
    %dma_start3A_226 = arith.constant 0 : i32
    %dma_start3A_227 = tpu.memref_slice %arg3[%add3A_222, %dma_start3A_226] : memref<16384x1024xf32, #tpu.memory_space<hbm>> -> memref<8x1024xf32, #tpu.memory_space<hbm>>
    %dma_start3A_228 = arith.constant 0 : i32
    %dma_start3A_229 = tpu.memref_slice %arg3[%add3A_222, %dma_start3A_228] : memref<16384x1024xf32, #tpu.memory_space<hbm>> -> memref<8x1024xf32, #tpu.memory_space<hbm>>
    %dma_start3A_230 = arith.constant 8 : i32
    %dma_start3A_231 = arith.constant 0 : i32
    %dma_start3A_232 = tpu.memref_slice %arg4[%dma_start3A_230, %dma_start3A_231] : memref<72x1024xf32, #tpu.memory_space<vmem>> -> memref<8x1024xf32, #tpu.memory_space<vmem>>
    tpu.enqueue_dma source(%dma_start3A_232 : memref<8x1024xf32, #tpu.memory_space<vmem>>) target(%dma_start3A_229 : memref<8x1024xf32, #tpu.memory_space<hbm>>) target_semaphore(%arg6 : memref<!tpu.dma_semaphore, #tpu.memory_space<semaphore_mem>>)
    %dma_wait3A_233 = arith.constant 0 : i32
    %dma_wait3A_234 = arith.constant 0 : i32
    %dma_wait3A_235 = tpu.memref_slice %arg4[%dma_wait3A_233, %dma_wait3A_234] : memref<72x1024xf32, #tpu.memory_space<vmem>> -> memref<8x1024xf32, #tpu.memory_space<vmem>>
    %dma_wait3A_236 = arith.constant 0 : i32
    %dma_wait3A_237 = tpu.memref_slice %arg3[%mul3A_2, %dma_wait3A_236] : memref<16384x1024xf32, #tpu.memory_space<hbm>> -> memref<8x1024xf32, #tpu.memory_space<hbm>>
    %dma_wait3A_238 = arith.constant 0 : i32
    %dma_wait3A_239 = tpu.memref_slice %arg3[%mul3A_2, %dma_wait3A_238] : memref<16384x1024xf32, #tpu.memory_space<hbm>> -> memref<8x1024xf32, #tpu.memory_space<hbm>>
    %dma_wait3A_240 = arith.constant 0 : i32
    %dma_wait3A_241 = arith.constant 0 : i32
    %dma_wait3A_242 = tpu.memref_slice %arg4[%dma_wait3A_240, %dma_wait3A_241] : memref<72x1024xf32, #tpu.memory_space<vmem>> -> memref<8x1024xf32, #tpu.memory_space<vmem>>
    tpu.wait_dma2 semaphore(%arg6 : memref<!tpu.dma_semaphore, #tpu.memory_space<semaphore_mem>>) src(%dma_wait3A_242 : memref<8x1024xf32, #tpu.memory_space<vmem>>) dst(%dma_wait3A_239 : memref<8x1024xf32, #tpu.memory_space<hbm>>)
    %dma_wait3A_243 = arith.constant 8 : i32
    %dma_wait3A_244 = arith.constant 0 : i32
    %dma_wait3A_245 = tpu.memref_slice %arg4[%dma_wait3A_243, %dma_wait3A_244] : memref<72x1024xf32, #tpu.memory_space<vmem>> -> memref<16x1024xf32, #tpu.memory_space<vmem>>
    %dma_wait3A_246 = arith.constant 0 : i32
    %dma_wait3A_247 = tpu.memref_slice %arg3[%add3A_90, %dma_wait3A_246] : memref<16384x1024xf32, #tpu.memory_space<hbm>> -> memref<16x1024xf32, #tpu.memory_space<hbm>>
    %dma_wait3A_248 = arith.constant 0 : i32
    %dma_wait3A_249 = tpu.memref_slice %arg3[%add3A_90, %dma_wait3A_248] : memref<16384x1024xf32, #tpu.memory_space<hbm>> -> memref<16x1024xf32, #tpu.memory_space<hbm>>
    %dma_wait3A_250 = arith.constant 8 : i32
    %dma_wait3A_251 = arith.constant 0 : i32
    %dma_wait3A_252 = tpu.memref_slice %arg4[%dma_wait3A_250, %dma_wait3A_251] : memref<72x1024xf32, #tpu.memory_space<vmem>> -> memref<16x1024xf32, #tpu.memory_space<vmem>>
    tpu.wait_dma2 semaphore(%arg6 : memref<!tpu.dma_semaphore, #tpu.memory_space<semaphore_mem>>) src(%dma_wait3A_252 : memref<16x1024xf32, #tpu.memory_space<vmem>>) dst(%dma_wait3A_249 : memref<16x1024xf32, #tpu.memory_space<hbm>>)
    %dma_wait3A_253 = arith.constant 8 : i32
    %dma_wait3A_254 = arith.constant 0 : i32
    %dma_wait3A_255 = tpu.memref_slice %arg4[%dma_wait3A_253, %dma_wait3A_254] : memref<72x1024xf32, #tpu.memory_space<vmem>> -> memref<32x1024xf32, #tpu.memory_space<vmem>>
    %dma_wait3A_256 = arith.constant 0 : i32
    %dma_wait3A_257 = tpu.memref_slice %arg3[%add3A_108, %dma_wait3A_256] : memref<16384x1024xf32, #tpu.memory_space<hbm>> -> memref<32x1024xf32, #tpu.memory_space<hbm>>
    %dma_wait3A_258 = arith.constant 0 : i32
    %dma_wait3A_259 = tpu.memref_slice %arg3[%add3A_108, %dma_wait3A_258] : memref<16384x1024xf32, #tpu.memory_space<hbm>> -> memref<32x1024xf32, #tpu.memory_space<hbm>>
    %dma_wait3A_260 = arith.constant 8 : i32
    %dma_wait3A_261 = arith.constant 0 : i32
    %dma_wait3A_262 = tpu.memref_slice %arg4[%dma_wait3A_260, %dma_wait3A_261] : memref<72x1024xf32, #tpu.memory_space<vmem>> -> memref<32x1024xf32, #tpu.memory_space<vmem>>
    tpu.wait_dma2 semaphore(%arg6 : memref<!tpu.dma_semaphore, #tpu.memory_space<semaphore_mem>>) src(%dma_wait3A_262 : memref<32x1024xf32, #tpu.memory_space<vmem>>) dst(%dma_wait3A_259 : memref<32x1024xf32, #tpu.memory_space<hbm>>)
    %dma_wait3A_263 = arith.constant 8 : i32
    %dma_wait3A_264 = arith.constant 0 : i32
    %dma_wait3A_265 = tpu.memref_slice %arg4[%dma_wait3A_263, %dma_wait3A_264] : memref<72x1024xf32, #tpu.memory_space<vmem>> -> memref<64x1024xf32, #tpu.memory_space<vmem>>
    %dma_wait3A_266 = arith.constant 0 : i32
    %dma_wait3A_267 = tpu.memref_slice %arg3[%add3A_126, %dma_wait3A_266] : memref<16384x1024xf32, #tpu.memory_space<hbm>> -> memref<64x1024xf32, #tpu.memory_space<hbm>>
    %dma_wait3A_268 = arith.constant 0 : i32
    %dma_wait3A_269 = tpu.memref_slice %arg3[%add3A_126, %dma_wait3A_268] : memref<16384x1024xf32, #tpu.memory_space<hbm>> -> memref<64x1024xf32, #tpu.memory_space<hbm>>
    %dma_wait3A_270 = arith.constant 8 : i32
    %dma_wait3A_271 = arith.constant 0 : i32
    %dma_wait3A_272 = tpu.memref_slice %arg4[%dma_wait3A_270, %dma_wait3A_271] : memref<72x1024xf32, #tpu.memory_space<vmem>> -> memref<64x1024xf32, #tpu.memory_space<vmem>>
    tpu.wait_dma2 semaphore(%arg6 : memref<!tpu.dma_semaphore, #tpu.memory_space<semaphore_mem>>) src(%dma_wait3A_272 : memref<64x1024xf32, #tpu.memory_space<vmem>>) dst(%dma_wait3A_269 : memref<64x1024xf32, #tpu.memory_space<hbm>>)
    %dma_wait3A_273 = arith.constant 8 : i32
    %dma_wait3A_274 = arith.constant 0 : i32
    %dma_wait3A_275 = tpu.memref_slice %arg4[%dma_wait3A_273, %dma_wait3A_274] : memref<72x1024xf32, #tpu.memory_space<vmem>> -> memref<64x1024xf32, #tpu.memory_space<vmem>>
    %dma_wait3A_276 = arith.constant 0 : i32
    %dma_wait3A_277 = tpu.memref_slice %arg3[%add3A_140, %dma_wait3A_276] : memref<16384x1024xf32, #tpu.memory_space<hbm>> -> memref<64x1024xf32, #tpu.memory_space<hbm>>
    %dma_wait3A_278 = arith.constant 0 : i32
    %dma_wait3A_279 = tpu.memref_slice %arg3[%add3A_140, %dma_wait3A_278] : memref<16384x1024xf32, #tpu.memory_space<hbm>> -> memref<64x1024xf32, #tpu.memory_space<hbm>>
    %dma_wait3A_280 = arith.constant 8 : i32
    %dma_wait3A_281 = arith.constant 0 : i32
    %dma_wait3A_282 = tpu.memref_slice %arg4[%dma_wait3A_280, %dma_wait3A_281] : memref<72x1024xf32, #tpu.memory_space<vmem>> -> memref<64x1024xf32, #tpu.memory_space<vmem>>
    tpu.wait_dma2 semaphore(%arg6 : memref<!tpu.dma_semaphore, #tpu.memory_space<semaphore_mem>>) src(%dma_wait3A_282 : memref<64x1024xf32, #tpu.memory_space<vmem>>) dst(%dma_wait3A_279 : memref<64x1024xf32, #tpu.memory_space<hbm>>)
    %dma_wait3A_283 = arith.constant 8 : i32
    %dma_wait3A_284 = arith.constant 0 : i32
    %dma_wait3A_285 = tpu.memref_slice %arg4[%dma_wait3A_283, %dma_wait3A_284] : memref<72x1024xf32, #tpu.memory_space<vmem>> -> memref<64x1024xf32, #tpu.memory_space<vmem>>
    %dma_wait3A_286 = arith.constant 0 : i32
    %dma_wait3A_287 = tpu.memref_slice %arg3[%add3A_154, %dma_wait3A_286] : memref<16384x1024xf32, #tpu.memory_space<hbm>> -> memref<64x1024xf32, #tpu.memory_space<hbm>>
    %dma_wait3A_288 = arith.constant 0 : i32
    %dma_wait3A_289 = tpu.memref_slice %arg3[%add3A_154, %dma_wait3A_288] : memref<16384x1024xf32, #tpu.memory_space<hbm>> -> memref<64x1024xf32, #tpu.memory_space<hbm>>
    %dma_wait3A_290 = arith.constant 8 : i32
    %dma_wait3A_291 = arith.constant 0 : i32
    %dma_wait3A_292 = tpu.memref_slice %arg4[%dma_wait3A_290, %dma_wait3A_291] : memref<72x1024xf32, #tpu.memory_space<vmem>> -> memref<64x1024xf32, #tpu.memory_space<vmem>>
    tpu.wait_dma2 semaphore(%arg6 : memref<!tpu.dma_semaphore, #tpu.memory_space<semaphore_mem>>) src(%dma_wait3A_292 : memref<64x1024xf32, #tpu.memory_space<vmem>>) dst(%dma_wait3A_289 : memref<64x1024xf32, #tpu.memory_space<hbm>>)
    %dma_wait3A_293 = arith.constant 8 : i32
    %dma_wait3A_294 = arith.constant 0 : i32
    %dma_wait3A_295 = tpu.memref_slice %arg4[%dma_wait3A_293, %dma_wait3A_294] : memref<72x1024xf32, #tpu.memory_space<vmem>> -> memref<64x1024xf32, #tpu.memory_space<vmem>>
    %dma_wait3A_296 = arith.constant 0 : i32
    %dma_wait3A_297 = tpu.memref_slice %arg3[%add3A_168, %dma_wait3A_296] : memref<16384x1024xf32, #tpu.memory_space<hbm>> -> memref<64x1024xf32, #tpu.memory_space<hbm>>
    %dma_wait3A_298 = arith.constant 0 : i32
    %dma_wait3A_299 = tpu.memref_slice %arg3[%add3A_168, %dma_wait3A_298] : memref<16384x1024xf32, #tpu.memory_space<hbm>> -> memref<64x1024xf32, #tpu.memory_space<hbm>>
    %dma_wait3A_300 = arith.constant 8 : i32
    %dma_wait3A_301 = arith.constant 0 : i32
    %dma_wait3A_302 = tpu.memref_slice %arg4[%dma_wait3A_300, %dma_wait3A_301] : memref<72x1024xf32, #tpu.memory_space<vmem>> -> memref<64x1024xf32, #tpu.memory_space<vmem>>
    tpu.wait_dma2 semaphore(%arg6 : memref<!tpu.dma_semaphore, #tpu.memory_space<semaphore_mem>>) src(%dma_wait3A_302 : memref<64x1024xf32, #tpu.memory_space<vmem>>) dst(%dma_wait3A_299 : memref<64x1024xf32, #tpu.memory_space<hbm>>)
    %dma_wait3A_303 = arith.constant 8 : i32
    %dma_wait3A_304 = arith.constant 0 : i32
    %dma_wait3A_305 = tpu.memref_slice %arg4[%dma_wait3A_303, %dma_wait3A_304] : memref<72x1024xf32, #tpu.memory_space<vmem>> -> memref<64x1024xf32, #tpu.memory_space<vmem>>
    %dma_wait3A_306 = arith.constant 0 : i32
    %dma_wait3A_307 = tpu.memref_slice %arg3[%add3A_182, %dma_wait3A_306] : memref<16384x1024xf32, #tpu.memory_space<hbm>> -> memref<64x1024xf32, #tpu.memory_space<hbm>>
    %dma_wait3A_308 = arith.constant 0 : i32
    %dma_wait3A_309 = tpu.memref_slice %arg3[%add3A_182, %dma_wait3A_308] : memref<16384x1024xf32, #tpu.memory_space<hbm>> -> memref<64x1024xf32, #tpu.memory_space<hbm>>
    %dma_wait3A_310 = arith.constant 8 : i32
    %dma_wait3A_311 = arith.constant 0 : i32
    %dma_wait3A_312 = tpu.memref_slice %arg4[%dma_wait3A_310, %dma_wait3A_311] : memref<72x1024xf32, #tpu.memory_space<vmem>> -> memref<64x1024xf32, #tpu.memory_space<vmem>>
    tpu.wait_dma2 semaphore(%arg6 : memref<!tpu.dma_semaphore, #tpu.memory_space<semaphore_mem>>) src(%dma_wait3A_312 : memref<64x1024xf32, #tpu.memory_space<vmem>>) dst(%dma_wait3A_309 : memref<64x1024xf32, #tpu.memory_space<hbm>>)
    %dma_wait3A_313 = arith.constant 8 : i32
    %dma_wait3A_314 = arith.constant 0 : i32
    %dma_wait3A_315 = tpu.memref_slice %arg4[%dma_wait3A_313, %dma_wait3A_314] : memref<72x1024xf32, #tpu.memory_space<vmem>> -> memref<64x1024xf32, #tpu.memory_space<vmem>>
    %dma_wait3A_316 = arith.constant 0 : i32
    %dma_wait3A_317 = tpu.memref_slice %arg3[%add3A_196, %dma_wait3A_316] : memref<16384x1024xf32, #tpu.memory_space<hbm>> -> memref<64x1024xf32, #tpu.memory_space<hbm>>
    %dma_wait3A_318 = arith.constant 0 : i32
    %dma_wait3A_319 = tpu.memref_slice %arg3[%add3A_196, %dma_wait3A_318] : memref<16384x1024xf32, #tpu.memory_space<hbm>> -> memref<64x1024xf32, #tpu.memory_space<hbm>>
    %dma_wait3A_320 = arith.constant 8 : i32
    %dma_wait3A_321 = arith.constant 0 : i32
    %dma_wait3A_322 = tpu.memref_slice %arg4[%dma_wait3A_320, %dma_wait3A_321] : memref<72x1024xf32, #tpu.memory_space<vmem>> -> memref<64x1024xf32, #tpu.memory_space<vmem>>
    tpu.wait_dma2 semaphore(%arg6 : memref<!tpu.dma_semaphore, #tpu.memory_space<semaphore_mem>>) src(%dma_wait3A_322 : memref<64x1024xf32, #tpu.memory_space<vmem>>) dst(%dma_wait3A_319 : memref<64x1024xf32, #tpu.memory_space<hbm>>)
    %dma_wait3A_323 = arith.constant 8 : i32
    %dma_wait3A_324 = arith.constant 0 : i32
    %dma_wait3A_325 = tpu.memref_slice %arg4[%dma_wait3A_323, %dma_wait3A_324] : memref<72x1024xf32, #tpu.memory_space<vmem>> -> memref<64x1024xf32, #tpu.memory_space<vmem>>
    %dma_wait3A_326 = arith.constant 0 : i32
    %dma_wait3A_327 = tpu.memref_slice %arg3[%add3A_210, %dma_wait3A_326] : memref<16384x1024xf32, #tpu.memory_space<hbm>> -> memref<64x1024xf32, #tpu.memory_space<hbm>>
    %dma_wait3A_328 = arith.constant 0 : i32
    %dma_wait3A_329 = tpu.memref_slice %arg3[%add3A_210, %dma_wait3A_328] : memref<16384x1024xf32, #tpu.memory_space<hbm>> -> memref<64x1024xf32, #tpu.memory_space<hbm>>
    %dma_wait3A_330 = arith.constant 8 : i32
    %dma_wait3A_331 = arith.constant 0 : i32
    %dma_wait3A_332 = tpu.memref_slice %arg4[%dma_wait3A_330, %dma_wait3A_331] : memref<72x1024xf32, #tpu.memory_space<vmem>> -> memref<64x1024xf32, #tpu.memory_space<vmem>>
    tpu.wait_dma2 semaphore(%arg6 : memref<!tpu.dma_semaphore, #tpu.memory_space<semaphore_mem>>) src(%dma_wait3A_332 : memref<64x1024xf32, #tpu.memory_space<vmem>>) dst(%dma_wait3A_329 : memref<64x1024xf32, #tpu.memory_space<hbm>>)
    %dma_wait3A_333 = arith.constant 8 : i32
    %dma_wait3A_334 = arith.constant 0 : i32
    %dma_wait3A_335 = tpu.memref_slice %arg4[%dma_wait3A_333, %dma_wait3A_334] : memref<72x1024xf32, #tpu.memory_space<vmem>> -> memref<8x1024xf32, #tpu.memory_space<vmem>>
    %dma_wait3A_336 = arith.constant 0 : i32
    %dma_wait3A_337 = tpu.memref_slice %arg3[%add3A_222, %dma_wait3A_336] : memref<16384x1024xf32, #tpu.memory_space<hbm>> -> memref<8x1024xf32, #tpu.memory_space<hbm>>
    %dma_wait3A_338 = arith.constant 0 : i32
    %dma_wait3A_339 = tpu.memref_slice %arg3[%add3A_222, %dma_wait3A_338] : memref<16384x1024xf32, #tpu.memory_space<hbm>> -> memref<8x1024xf32, #tpu.memory_space<hbm>>
    %dma_wait3A_340 = arith.constant 8 : i32
    %dma_wait3A_341 = arith.constant 0 : i32
    %dma_wait3A_342 = tpu.memref_slice %arg4[%dma_wait3A_340, %dma_wait3A_341] : memref<72x1024xf32, #tpu.memory_space<vmem>> -> memref<8x1024xf32, #tpu.memory_space<vmem>>
    tpu.wait_dma2 semaphore(%arg6 : memref<!tpu.dma_semaphore, #tpu.memory_space<semaphore_mem>>) src(%dma_wait3A_342 : memref<8x1024xf32, #tpu.memory_space<vmem>>) dst(%dma_wait3A_339 : memref<8x1024xf32, #tpu.memory_space<hbm>>)
    return
  }
}

</mosaic_0001>

<sc_bundles>
// kernel: _modal_embed.3.cloned.1.call-start
scs
__scs_entry_jumppad:
0x0: {  	(pc) =	sbr.rel $0x88, $3  }
0x1: {  	(tag) =	ssettag $0x0;
	lr =	simm.s32 $0x1  }
0x2: {  	[smem:$0x3FA0] =	sst lr;
	_ =	strace $0xD0000000  }
0x3: {  	_ = 	snop  }
0x4: {  	_ = 	snop  }
0x5: {  	_ = 	snop  }
0x6: {  	_ = 	snop  }
0x7: {  	_ = 	snop  }
__scs_overlays_trampoline_lowered:
0x8: {  	[smem:$0x3FAF] =	sst s0  }
0x9: {  	[smem:$0x3FB0] =	sst s1  }
0xa: {  	[smem:$0x3FB1] =	sst s2  }
0xb: {  	[smem:$0x3FB2] =	sst s3  }
0xc: {  	[smem:$0x3FB3] =	sst s4  }
0xd: {  	[smem:$0x3FB4] =	sst s5  }
0xe: {  	[smem:$0x3FB5] =	sst s6  }
0xf: {  	[smem:$0x3FB6] =	sst s7  }
0x10: {  	[smem:$0x3FB7] =	sst s8  }
0x11: {  	[smem:$0x3FB8] =	sst s9;
	s0 =	simm.s32 @!p0 $0x0  }
0x12: {  	s1 =	sld [smem:$0x3F9E];
	s0 =	simm.s32 @p0 $0x1  }
0x13: {  	[smem:$0x3FB9] =	sst s0;
	s0 =	simm.s32 @!p1 $0x0  }
0x14: {  	s2 =	sld [smem:$0x3F9D];
	s0 =	simm.s32 @p1 $0x1  }
0x15: {  	[smem:$0x3FBA] =	sst s0;
	s0 =	simm.s32 @!p2 $0x0  }
0x16: {  	s3 =	sld [smem:$0x3FDB];
	s0 =	simm.s32 @p2 $0x1  }
0x17: {  	s4 =	simm.s32 $0x1BF5;
	[smem:$0x3FBC] =	sst s0  }
0x18: {  	s0 =	sld [smem:$0x3F9F];
	_ =	swait.ge [sflag:s4], $0x0  }
0x19: {  	s7 =	sld [smem:$0x3FA0]  }
0x1a: {  	s8 =	sadd.s32 $0xFFFFE003, lr  }
0x1b: {  	s9 =	sadd.s32 $0xFFFFFEF7, lr;
	s5 =	simm.s32 $0xFFFFFFFF;
	p2 =	slt.u32 s8, $0xFFFFF086  }
0x1c: {  	p1 =	slt.u32 s9, $0xF7A;
	s5 =	simm.s32 @!p2 $0x0  }
0x1d: {  	s5 =	simm.s32 @p1 $0x1;
	p0 =	seq.s32 s7, s2  }
0x1e: {  	s7 =	smul.u32 @!p0 $0xF7A, s2;
	p2 =	seq.s32 @!p0 s5, $0x0  }
0x1f: {  	s9 =	smul.u32 $0xF7A, s1;
	s8 =	simm.s32 @!p0 $0x1BF5;
	p2 =	por !p2, p0  }
0x20: {  	[sflag:s8] =	ssyncset.s32 @!p0 $0xFFFFF086;
	s6 =	sadd.s32 @!p0 s3, s7;
	s7 =	simm.s32 @!p0 $0x108  }
0x21: {  	s3 =	sadd.s32 s3, s9;
	s6 =	sadd.s32 @!p0 $0x88, s6;
	s7 =	simm.s32 @p2 $0x1082  }
0x22: {  	[simem:s7], [sflag:s8] =	dma.local @!p0 [hbm:s6], $0xF7A  }
0x23: {  	s9 =	sor.u32 $0xD0000000, s2;
	s6 =	simm.s32 $0x108;
	_ =	swait.ge @!p0 [sflag:s8], $0x0  }
0x24: {  	s3 =	sadd.s32 $0x88, s3;
	s6 =	simm.s32 @!p1 $0x1082;
	[sflag:s4] =	ssyncset.s32 $0xFFFFF086  }
0x25: {  	[simem:s6], [sflag:s4] =	dma.local [hbm:s3], $0xF7A  }
0x26: {  	[smem:$0x3FA0] =	sst s1;
	(tag) =	ssettag s2;
	_ =	strace s9  }
0x27: {  	s1 =	sld [smem:$0x3FB0]  }
0x28: {  	s2 =	sld [smem:$0x3FB1]  }
0x29: {  	s4 =	sld [smem:$0x3FB3]  }
0x2a: {  	p0 =	seq.s32 s5, $0x0;
	s5 =	sld [smem:$0x3FB4]  }
0x2b: {  	s6 =	sld [smem:$0x3FB5]  }
0x2c: {  	s7 =	sld [smem:$0x3FB6]  }
0x2d: {  	s3 =	simm.s32 $0x108;
	s8 =	sld [smem:$0x3FB7]  }
0x2e: {  	s3 =	simm.s32 @!p0 $0x1082;
	s9 =	sld [smem:$0x3FB8]  }
0x2f: {  	lr =	sadd.s32 s0, s3;
	s0 =	sld [smem:$0x3FAF]  }
0x30: {  	s3 =	sld [smem:$0x3FB2]  }
0x31: {  	[smem:$0x3FBB] =	sst s10  }
0x32: {  	s10 =	sld [smem:$0x3FB9];
	_ =	sdelay $0x3  }
0x33: {  	p0 =	seq.s32 s10, $0x1;
	s10 =	sld [smem:$0x3FBB];
	_ =	sdelay $0x3  }
0x34: {  	[smem:$0x3FBB] =	sst s10  }
0x35: {  	s10 =	sld [smem:$0x3FBA];
	_ =	sdelay $0x3  }
0x36: {  	p1 =	seq.s32 s10, $0x1;
	s10 =	sld [smem:$0x3FBB];
	_ =	sdelay $0x3  }
0x37: {  	[smem:$0x3FBB] =	sst s10  }
0x38: {  	s10 =	sld [smem:$0x3FBC]  }
0x39: {  	_ = 	snop;
	(pc) =	sbr.ind lr, $3  }
0x3a: {  	_ = 	snop  }
0x3b: {  	_ = 	snop  }
0x3c: {  	p2 =	seq.s32 s10, $0x1;
	s10 =	sld [smem:$0x3FBB]  }
0x3d: {  	_ =	shalt  }
0x3e: {  	_ =	shalt  }
0x3f: {  	_ =	shalt  }
0x40: {  	_ =	shalt  }
0x41: {  	_ =	shalt  }
0x42: {  	_ =	shalt  }
0x43: {  	_ =	shalt  }
0x44: {  	_ =	shalt  }
0x45: {  	_ =	shalt  }
0x46: {  	_ =	shalt  }
0x47: {  	_ =	shalt  }
0x48: {  	_ =	shalt  }
0x49: {  	_ =	shalt  }
0x4a: {  	_ =	shalt  }
0x4b: {  	_ =	shalt  }
0x4c: {  	_ =	shalt  }
0x4d: {  	_ =	shalt  }
0x4e: {  	_ =	shalt  }
0x4f: {  	_ =	shalt  }
0x50: {  	_ =	shalt  }
0x51: {  	_ =	shalt  }
0x52: {  	_ =	shalt  }
0x53: {  	_ =	shalt  }
0x54: {  	_ =	shalt  }
0x55: {  	_ =	shalt  }
0x56: {  	_ =	shalt  }
0x57: {  	_ =	shalt  }
0x58: {  	_ =	shalt  }
0x59: {  	_ =	shalt  }
0x5a: {  	_ =	shalt  }
0x5b: {  	_ =	shalt  }
0x5c: {  	_ =	shalt  }
0x5d: {  	_ =	shalt  }
0x5e: {  	_ =	shalt  }
0x5f: {  	_ =	shalt  }
0x60: {  	_ =	shalt  }
0x61: {  	_ =	shalt  }
0x62: {  	_ =	shalt  }
0x63: {  	_ =	shalt  }
0x64: {  	_ =	shalt  }
0x65: {  	_ =	shalt  }
0x66: {  	_ =	shalt  }
0x67: {  	_ =	shalt  }
0x68: {  	_ =	shalt  }
0x69: {  	_ =	shalt  }
0x6a: {  	_ =	shalt  }
0x6b: {  	_ =	shalt  }
0x6c: {  	_ =	shalt  }
0x6d: {  	_ =	shalt  }
0x6e: {  	_ =	shalt  }
0x6f: {  	_ =	shalt  }
0x70: {  	_ =	shalt  }
0x71: {  	_ =	shalt  }
0x72: {  	_ =	shalt  }
0x73: {  	_ =	shalt  }
0x74: {  	_ =	shalt  }
0x75: {  	_ =	shalt  }
0x76: {  	_ =	shalt  }
0x77: {  	_ =	shalt  }
0x78: {  	_ =	shalt  }
0x79: {  	_ =	shalt  }
0x7a: {  	_ =	shalt  }
0x7b: {  	_ =	shalt  }
0x7c: {  	_ =	shalt  }
0x7d: {  	_ =	shalt  }
0x7e: {  	_ =	shalt  }
0x7f: {  	_ =	shalt  }
0x80: {  	_ =	shalt  }
0x81: {  	_ =	shalt  }
0x82: {  	_ =	shalt  }
0x83: {  	_ =	shalt  }
0x84: {  	_ =	shalt  }
0x85: {  	_ =	shalt  }
0x86: {  	_ =	shalt  }
0x87: {  	_ =	shalt  }
.Lfunc_end0:
.L_simem_size_0:
called_computation_lowered:
.L_overlay_start_0:
0x88: {  	s2 =	sld [smem:$0x3FD9]  }
0x89: {  	s3 =	sld [smem:$0x3FFE];
	_ =	sdelay $0x1  }
0x8a: {  	s1 =	srdreg.scid  }
0x8b: {  	s0 =	sand.u32 $0x1, s1  }
0x8c: {  	s18 =	sshll.u32 s0, $0xA;
	s2 =	sadd.s32 s3, s2  }
0x8d: {  	s2 =	sadd.s32 s2, s18  }
0x8e: {  	[smem:$0x3FC7] =	sst s2  }
0x8f: {  	_ = 	snop  }
0x90: {  	s2 =	sld [smem:$0x3FC9]  }
0x91: {  	s19 =	sld [smem:$0x3FD0];
	(tm) =	ssettm $0x1  }
0x92: {  	s4 =	sld [smem:$0x3FFB];
	_ =	sdelay $0x3  }
0x93: {  	_ =	strace s4  }
0x94: {  	s4 =	sld [smem:$0x3FFC];
	_ =	sdelay $0x3  }
0x95: {  	_ =	strace s4  }
0x96: {  	s4 =	sld [smem:$0x3FFD];
	_ =	sdelay $0x3  }
0x97: {  	_ =	strace s4  }
0x98: {  	_ =	strace $0x8FFFFFFF  }
0x99: {  	s20 =	sld [smem:$0x3FDB];
	_ =	sdelay $0x1  }
0x9a: {  	s5 =	simm.s32 $_scs_section_size  }
0x9b: {  	s6 =	simm.s32 $_size__tile_overlayer_lowered;
	s7 =	simm.s32 $_tile_overlayer_lowered  }
0x9c: {  	s23 =	simm.s32 $0x1BFF;
	s22 =	sshll.u32 s7, $0x1;
	s4 =	sadd.s32 s5, s20  }
0x9d: {  	s8 =	simm.s32 $0x0;
	s21 =	sshll.u32 s6, $0x1;
	s6 =	sadd.s32 s22, s4  }
0x9e: {  	[timem:s8], [sflag:s23] =	dma.local [hbm:s6], s21  }
0x9f: {  	_ =	swait.ge [sflag:s23], s21  }
0xa0: {  	s5 =	ssub.s32 $0x0, s21;
	[sflag:s23] =	ssyncset.done $0x0  }
0xa1: {  	[sflag:s23] =	ssyncadd.s32 s5;
	_ =	sdelay $0x1  }
0xa2: {  	s24 =	simm.s32 $0x1B8B  }
0xa3: {  	_ =	swait.ge [sflag:s24], $0x1  }
0xa4: {  	[sflag:s24] =	ssyncset.done $0x0  }
0xa5: {  	s25 =	simm.s32 $0x1B8E;
	[sflag:s24] =	ssyncadd.s32 $0xFFFFFFFF  }
0xa6: {  	s26 =	simm.s32 $execute0_lowered;
	[smem:$0x3FD2] =	sst s25  }
0xa7: {  	s5 =	sshll.u32 s26, $0x1;
	_ =	strace $0x80000046;
	[dreg:$0x1] =	wrdreg $0xFFFFFFFF  }
0xa8: {  	s28 =	simm.s32 $_size_execute0_lowered;
	s4 =	sadd.s32 s4, s5;
	[dreg:$0x0] =	wrdreg $0x0  }
0xa9: {  	s5 =	sshll.u32 s28, $0x1;
	[dreg:$0x2] =	wrdreg s4  }
0xaa: {  	[dreg:$0x3] =	wrdreg s5  }
0xab: {  	[dreg:$0x4] =	wrdreg $0xC0  }
0xac: {  	_ =	task [dreg:s8], $0x5FFFF  }
0xad: {  	[dreg:$0x1] =	wrdreg $0xFFFFFFFF  }
0xae: {  	[dreg:$0x0] =	wrdreg $0x60  }
0xaf: {  	[dreg:$0x2] =	wrdreg s2  }
0xb0: {  	[dreg:$0x3] =	wrdreg s19  }
0xb1: {  	[dreg:$0x4] =	wrdreg $0x9  }
0xb2: {  	_ =	task.clear_ibuf [dreg:s8], $0x5FFFF;
	_ =	strace $0x90000046  }
0xb3: {  	s29 =	simm.s32 $0x9;
	_ =	strace $0x80000048  }
0xb4: {  	_ =	swait.ge [sflag:s29], $0x1  }
0xb5: {  	[sflag:s29] =	ssyncadd.s32 $0xFFFFFFFF  }
0xb6: {  	_ =	strace $0x90000048  }
0xb7: {  	_ =	sfence  }
0xb8: {  	s30 =	sld [smem:$0x0];
	_ =	sdelay $0x2  }
0xb9: {  	s31 =	sshll.u32 s1, $0xD;
	s1 =	sshrl.u32 s1, $0x2  }
0xba: {  	s3 =	sand.u32 $0x4000, s31;
	s1 =	sadd.s32 s1, s30  }
0xbb: {  	s0 =	sor.u32 s3, s0;
	s1 =	sshll.u32 s1, $0x11  }
0xbc: {  	s0 =	sor.u32 s1, s0  }
0xbd: {  	s0 =	sadd.s32 $0x8F2B, s0  }
0xbe: {  	[sflag:s0] =	ssyncadd.remote.s32 $0x1  }
0xbf: {  	_ =	sfence.sel $0xFFFF  }
0xc0: {  	[dreg:$0x0] =	wrdreg $0xFFFFFFFF;
	(pc) =	sbr.abs _section_cstart, $3  }
0xc1: {  	[dreg:$0x1] =	wrdreg $0xFFFFFFFF  }
0xc2: {  	_ =	task.clear_ibuf [dreg:s8], $0x2FFFF;
	_ =	strace $0x9FFFFFFF  }
0xc3: {  	(tm) =	ssettm $0x7FFFFFFF  }
tec
execute0_lowered:
.L_overlay_start_1:
0x0: {  	(tag) =	ssettag $0x1  }
0x1: {  	s0 =	rddreg [dreg:$0x0];
	s1 =	srdreg.scid  }
0x2: {  	s2 =	stileid.u32;
	s6 =	rddreg [dreg:$0x1]  }
0x3: {  	s5 =	simm.s32 $0x1;
	s7 =	simm.s32 $0x1;
	s9 =	simm.s32 $0x3  }
0x4: {  	s1 =	sand.u32 $0x1, s1;
	s3 =	sshll.u32 s2, $0x1;
	s2 =	simm.s32 $0x0  }
0x5: {  	s4 =	sor.u32 s1, s3;
	[smem:$0x7FF] =	sst s2;
	s1 =	ssub.s32 $0x2, s1  }
0x6: {  	s3 =	sshll.u32 s4, $0x9;
	_ =	strace $0x80000047;
	s8 =	sand.u32 $0x3, s4  }
0x7: {  	s16 =	sshrl.u32 s1, $0x1;
	s17 =	sshll.u32 s4, $0x10;
	s3 =	sand.u32 $0xE00, s3  }
0x8: {  	s1 =	ssub.s32 s1, s16;
	s6 =	sadd.s32 s6, s17;
	p0 =	sgt.u32 s3, $0x7FF  }
0x9: {  	p1 =	seq.s32 s3, $0xC00;
	s18 =	sadd.s32 $0x400, s6;
	s19 =	sadd.s32 $0xC00, s6  }
0xa: {  	s20 =	sadd.s32 $0x1C00, s6;
	s21 =	sadd.s32 $0x3C00, s6;
	s22 =	sadd.s32 $0x5C00, s6  }
0xb: {  	s23 =	sadd.s32 $0x7C00, s6;
	s24 =	sadd.s32 $0x9C00, s6;
	[dreg:$0x3] =	wrdreg s18  }
0xc: {  	s25 =	sadd.s32 $0xBC00, s6;
	s26 =	sadd.s32 $0xDC00, s6;
	[dreg:$0x4] =	wrdreg s19  }
0xd: {  	s16 =	sadd.s32 $0xFC00, s6;
	s17 =	smax.u32 s1, $0x1;
	[dreg:$0x5] =	wrdreg s20  }
0xe: {  	s5 =	simm.s32 @!p0 $0x0;
	p0 =	sgt.u32 s3, $0xBFF;
	[dreg:$0x6] =	wrdreg s21  }
0xf: {  	s9 =	simm.s32 @!p1 $0x0;
	s3 =	simm.s32 $0x1;
	[dreg:$0x7] =	wrdreg s22  }
0x10: {  	[dreg:$0x8] =	wrdreg s23;
	s7 =	simm.s32 @!p0 $0x0;
	p0 =	seq.s32 s8, $0x0  }
0x11: {  	[dreg:$0x9] =	wrdreg s24;
	s5 =	sadd.s32 s7, s5;
	s9 =	simm.s32 @p0 $0x3  }
0x12: {  	[dreg:$0xa] =	wrdreg s25;
	s7 =	sadd.s32 s9, s5;
	s5 =	sshll.u32 s5, $0x4  }
0x13: {  	[dreg:$0xb] =	wrdreg s26;
	s7 =	sshll.u32 s7, $0x4;
	s5 =	sadd.s32 s0, s5  }
0x14: {  	s8 =	simm.s32 $0x0;
	s4 =	sadd.s32 s0, s7;
	s25 =	sadd.s32 $0x80, s5  }
0x15: {  	s26 =	sadd.s32 $0x100, s5;
	s28 =	sadd.s32 $0x180, s5;
	s29 =	sadd.s32 $0x200, s5  }
0x16: {  	s30 =	sadd.s32 $0x280, s5;
	s31 =	sadd.s32 $0x300, s5;
	s1 =	sadd.s32 $0x380, s5  }
0x17: {  	s0 =	simm.s32 $0x2000;
	s7 =	simm.s32 $0x2;
	s18 =	sadd.s32 $0x80, s4  }
0x18: {  	s19 =	sadd.s32 $0x100, s4;
	s20 =	sadd.s32 $0x180, s4;
	s21 =	sadd.s32 $0x200, s4  }
0x19: {  	s22 =	sadd.s32 $0x280, s4;
	s23 =	sadd.s32 $0x300, s4;
	s24 =	sadd.s32 $0x380, s4  }
.LBB2_1:
0x1a: {  	[tilespmem:s2], [sflag:$0x1] =	stream.linear.gather [hbm4b:s4+s2], $0x80, $0x38;
	[tilespmem:$0x12000] =	vst v63  }
0x1b: {  	s9 =	simm.s32 $0x400  }
0x1c: {  	[tilespmem:s9], [sflag:$0x1] =	stream.linear.gather [hbm4b:s18+s2], $0x80, $0x38;
	[tilespmem:$0x12000] =	vst v63  }
0x1d: {  	s14 =	simm.s32 $0x800  }
0x1e: {  	[tilespmem:s14], [sflag:$0x1] =	stream.linear.gather [hbm4b:s19+s2], $0x80, $0x38;
	[tilespmem:$0x12000] =	vst v63  }
0x1f: {  	s15 =	simm.s32 $0xC00  }
0x20: {  	[tilespmem:s15], [sflag:$0x1] =	stream.linear.gather [hbm4b:s20+s2], $0x80, $0x38;
	[tilespmem:$0x12000] =	vst v63  }
0x21: {  	s10 =	simm.s32 $0x1000  }
0x22: {  	[tilespmem:s10], [sflag:$0x1] =	stream.linear.gather [hbm4b:s21+s2], $0x80, $0x38;
	[tilespmem:$0x12000] =	vst v63  }
0x23: {  	s11 =	simm.s32 $0x1400  }
0x24: {  	[tilespmem:s11], [sflag:$0x1] =	stream.linear.gather [hbm4b:s22+s2], $0x80, $0x38;
	[tilespmem:$0x12000] =	vst v63  }
0x25: {  	s12 =	simm.s32 $0x1800  }
0x26: {  	[tilespmem:s12], [sflag:$0x1] =	stream.linear.gather [hbm4b:s23+s2], $0x80, $0x38;
	[tilespmem:$0x12000] =	vst v63  }
0x27: {  	s13 =	simm.s32 $0x1C00  }
0x28: {  	[tilespmem:s13], [sflag:$0x1] =	stream.linear.gather [hbm4b:s24+s2], $0x80, $0x38;
	[tilespmem:$0x12000] =	vst v63  }
0x29: {  	_ = 	snop  }
0x2a: {  	[tilespmem:s0], [sflag:$0x1] =	stream.linear.gather [hbm4b:s5+s2], $0x80, $0x38;
	[tilespmem:$0x12000] =	vst v63  }
0x2b: {  	s14 =	simm.s32 $0x2400  }
0x2c: {  	[tilespmem:s14], [sflag:$0x1] =	stream.linear.gather [hbm4b:s25+s2], $0x80, $0x38;
	[tilespmem:$0x12000] =	vst v63  }
0x2d: {  	s15 =	simm.s32 $0x2800  }
0x2e: {  	[tilespmem:s15], [sflag:$0x1] =	stream.linear.gather [hbm4b:s26+s2], $0x80, $0x38;
	[tilespmem:$0x12000] =	vst v63  }
0x2f: {  	s10 =	simm.s32 $0x2C00  }
0x30: {  	[tilespmem:s10], [sflag:$0x1] =	stream.linear.gather [hbm4b:s28+s2], $0x80, $0x38;
	[tilespmem:$0x12000] =	vst v63  }
0x31: {  	s11 =	simm.s32 $0x3000  }
0x32: {  	[tilespmem:s11], [sflag:$0x1] =	stream.linear.gather [hbm4b:s29+s2], $0x80, $0x38;
	[tilespmem:$0x12000] =	vst v63  }
0x33: {  	s12 =	simm.s32 $0x3400  }
0x34: {  	[tilespmem:s12], [sflag:$0x1] =	stream.linear.gather [hbm4b:s30+s2], $0x80, $0x38;
	[tilespmem:$0x12000] =	vst v63  }
0x35: {  	s13 =	simm.s32 $0x3800  }
0x36: {  	[tilespmem:s13], [sflag:$0x1] =	stream.linear.gather [hbm4b:s31+s2], $0x80, $0x38;
	[tilespmem:$0x12000] =	vst v63  }
0x37: {  	s14 =	simm.s32 $0x3C00  }
0x38: {  	[tilespmem:s14], [sflag:$0x1] =	stream.linear.gather [hbm4b:s1+s2], $0x80, $0x38;
	[tilespmem:$0x12000] =	vst v63  }
0x39: {  	_ =	swait.ge [sflag:s3], $0x400  }
0x3a: {  	[sflag:s3] =	ssyncset.done $0x0  }
0x3b: {  	[sflag:s3] =	ssyncadd.s32 $0xFFFFFC00  }
0x3c: {  	_ =	swait.ge [sflag:s3], $0x400  }
0x3d: {  	s15 =	sand.u32 $0x70, s2;
	s10 =	sand.u32 $0x1C00, s2;
	[sflag:s3] =	ssyncset.done $0x0  }
0x3e: {  	s9 =	sor.u32 s15, s10;
	[sflag:s3] =	ssyncadd.s32 $0xFFFFFC00  }
0x3f: {  	v0 =	vld [tilespmem:s9+$0x2000];
	_ =	sdelay $0x3  }
0x40: {  	s10 =	simm.s32 $0x0;
	s11 =	simm.s32 $0x0;
	s12 =	simm.s32 $0x10  }
.LBB2_2:
0x41: {  	p0 =	sne.s32 s12, $0x3F0;
	[tilespmem:s9+$0x80] =	vst v0  }
0x42: {  	[tilespmem:s9+$0x100] =	vst v0  }
0x43: {  	[tilespmem:s9+$0x180] =	vst v0  }
0x44: {  	[tilespmem:s9+$0x200] =	vst v0  }
0x45: {  	s13 =	sor.u32 s10, s11;
	s10 =	sadd.s32 $0x80, s10;
	s11 =	smov.u32 s12;
	[tilespmem:s9+$0x280] =	vst v0  }
0x46: {  	s14 =	sand.u32 $0x70, s12;
	s15 =	sand.u32 $0x1C00, s10;
	s13 =	sor.u32 $0x380, s13;
	[tilespmem:s9+$0x300] =	vst v0  }
0x47: {  	s9 =	sor.u32 s14, s15;
	[tilespmem:s13+$0x0] =	vst v0  }
.Ltmp0:
0x48: {  	v0 =	vld [tilespmem:s9+$0x2000];
	(pc) =	sbr.rel @p0 .LBB2_2-.Ltmp0, $2  }
0x49: {  	_ =	sdelay $0x2  }
0x4a: {  	s12 =	sadd.s32 $0x10, s12  }
0x4b: {  	[tilespmem:s9+$0x80] =	vst v0  }
0x4c: {  	[tilespmem:s9+$0x100] =	vst v0  }
0x4d: {  	[tilespmem:s9+$0x180] =	vst v0  }
0x4e: {  	[tilespmem:s9+$0x200] =	vst v0  }
0x4f: {  	[tilespmem:s9+$0x280] =	vst v0;
	s10 =	sor.u32 s10, s11;
	s13 =	simm.s32 $0x0  }
0x50: {  	[tilespmem:s9+$0x300] =	vst v0;
	s12 =	sor.u32 $0x380, s10;
	s14 =	sand.u32 $0x70, s13;
	s9 =	sand.u32 $0x1C00, s13  }
0x51: {  	[tilespmem:s12+$0x0] =	vst v0;
	s9 =	sor.u32 s14, s9  }
0x52: {  	[hbm4b:s6+s13] =	stream.linear.scatter [tilespmem:s13], [sflag:$0x2], $0x2000, $0x38;
	[tilespmem:$0x12000] =	vst v63  }
0x53: {  	v0 =	vld [tilespmem:s9+$0x2000];
	_ =	sdelay $0x4  }
0x54: {  	[tilespmem:s9+$0x4380] =	vst v0  }
0x55: {  	[tilespmem:s9+$0x2080] =	vst v0  }
0x56: {  	[tilespmem:s9+$0x2100] =	vst v0  }
0x57: {  	[tilespmem:s9+$0x2180] =	vst v0  }
0x58: {  	[tilespmem:s9+$0x2200] =	vst v0  }
0x59: {  	[tilespmem:s9+$0x2280] =	vst v0  }
0x5a: {  	[tilespmem:s9+$0x2300] =	vst v0  }
0x5b: {  	s15 =	simm.s32 $0x10;
	s10 =	simm.s32 $0x80;
	[tilespmem:s9+$0x2380] =	vst v0  }
0x5c: {  	s11 =	simm.s32 $0x20;
	s12 =	sand.u32 $0x70, s15;
	s13 =	sand.u32 $0x1C00, s10;
	[tilespmem:s9+$0x4000] =	vst v0  }
.LBB2_4:
0x5d: {  	p0 =	sne.s32 s11, $0x3F0;
	s12 =	sor.u32 s12, s13;
	[tilespmem:s9+$0x4080] =	vst v0  }
0x5e: {  	v1 =	vld [tilespmem:s12+$0x2000];
	[tilespmem:s9+$0x4100] =	vst v0  }
0x5f: {  	[tilespmem:s9+$0x4180] =	vst v0  }
0x60: {  	[tilespmem:s9+$0x4200] =	vst v0  }
0x61: {  	[tilespmem:s9+$0x4280] =	vst v0  }
0x62: {  	[tilespmem:s9+$0x4300] =	vst v0;
	s9 =	smov.u32 s12  }
0x63: {  	[tilespmem:s9+$0x4380] =	vst v1;
	v0 =	vmov v1  }
0x64: {  	[tilespmem:s9+$0x2080] =	vst v0  }
0x65: {  	[tilespmem:s9+$0x2100] =	vst v0  }
0x66: {  	[tilespmem:s9+$0x2180] =	vst v0  }
.Ltmp1:
0x67: {  	[tilespmem:s9+$0x2200] =	vst v0;
	(pc) =	sbr.rel @p0 .LBB2_4-.Ltmp1, $4  }
0x68: {  	[tilespmem:s9+$0x2280] =	vst v0  }
0x69: {  	[tilespmem:s9+$0x2300] =	vst v0  }
0x6a: {  	s10 =	sadd.s32 $0x80, s10;
	[tilespmem:s9+$0x2380] =	vst v0  }
0x6b: {  	s13 =	sand.u32 $0x1C00, s10;
	s12 =	sand.u32 $0x70, s11;
	s11 =	sadd.s32 $0x10, s11;
	[tilespmem:s9+$0x4000] =	vst v0  }
0x6c: {  	s10 =	sor.u32 s12, s13;
	[tilespmem:s9+$0x4080] =	vst v0  }
0x6d: {  	v1 =	vld [tilespmem:s10+$0x2000];
	[tilespmem:s9+$0x4100] =	vst v0  }
0x6e: {  	[tilespmem:s9+$0x4180] =	vst v0  }
0x6f: {  	[tilespmem:s9+$0x4200] =	vst v0  }
0x70: {  	[tilespmem:s9+$0x4280] =	vst v0  }
0x71: {  	[tilespmem:s9+$0x4300] =	vst v0  }
0x72: {  	[tilespmem:s10+$0x4380] =	vst v1  }
0x73: {  	[tilespmem:s10+$0x2080] =	vst v1  }
0x74: {  	[tilespmem:s10+$0x2100] =	vst v1  }
0x75: {  	[tilespmem:s10+$0x2180] =	vst v1  }
0x76: {  	[tilespmem:s10+$0x2200] =	vst v1  }
0x77: {  	[tilespmem:s10+$0x2280] =	vst v1  }
0x78: {  	[tilespmem:s10+$0x2300] =	vst v1  }
0x79: {  	[tilespmem:s10+$0x2380] =	vst v1  }
0x7a: {  	[tilespmem:s10+$0x4000] =	vst v1  }
0x7b: {  	[tilespmem:s10+$0x4080] =	vst v1  }
0x7c: {  	[tilespmem:s10+$0x4100] =	vst v1  }
0x7d: {  	[tilespmem:s10+$0x4180] =	vst v1  }
0x7e: {  	s13 =	simm.s32 $0x0;
	[tilespmem:s10+$0x4200] =	vst v1  }
0x7f: {  	s15 =	sand.u32 $0x70, s13;
	s9 =	sand.u32 $0x1C00, s13;
	[tilespmem:s10+$0x4280] =	vst v1  }
0x80: {  	s14 =	rddreg [dreg:$0x3];
	s9 =	sor.u32 s15, s9;
	[tilespmem:s10+$0x4300] =	vst v1  }
0x81: {  	[hbm4b:s14+s13] =	stream.linear.scatter [tilespmem:s0], [sflag:$0x2], $0x4000, $0x38;
	[tilespmem:$0x12000] =	vst v63  }
0x82: {  	v0 =	vld [tilespmem:s9+$0x2000];
	_ =	sdelay $0x4  }
0x83: {  	[tilespmem:s9+$0x8380] =	vst v0  }
0x84: {  	[tilespmem:s9+$0x6000] =	vst v0  }
0x85: {  	[tilespmem:s9+$0x6080] =	vst v0  }
0x86: {  	[tilespmem:s9+$0x6100] =	vst v0  }
0x87: {  	[tilespmem:s9+$0x6180] =	vst v0  }
0x88: {  	[tilespmem:s9+$0x6200] =	vst v0  }
0x89: {  	[tilespmem:s9+$0x6280] =	vst v0  }
0x8a: {  	[tilespmem:s9+$0x6300] =	vst v0  }
0x8b: {  	s11 =	simm.s32 $0x10;
	s10 =	simm.s32 $0x80;
	[tilespmem:s9+$0x6380] =	vst v0  }
0x8c: {  	s12 =	sand.u32 $0x70, s11;
	s11 =	simm.s32 $0x20;
	s13 =	sand.u32 $0x1C00, s10;
	[tilespmem:s9+$0x8000] =	vst v0  }
.LBB2_6:
0x8d: {  	p0 =	sne.s32 s11, $0x3F0;
	s12 =	sor.u32 s12, s13;
	[tilespmem:s9+$0x8080] =	vst v0  }
0x8e: {  	v1 =	vld [tilespmem:s12+$0x2000];
	[tilespmem:s9+$0x8100] =	vst v0  }
0x8f: {  	[tilespmem:s9+$0x8180] =	vst v0  }
0x90: {  	[tilespmem:s9+$0x8200] =	vst v0  }
0x91: {  	[tilespmem:s9+$0x8280] =	vst v0  }
0x92: {  	[tilespmem:s9+$0x8300] =	vst v0;
	s9 =	smov.u32 s12  }
0x93: {  	[tilespmem:s9+$0x8380] =	vst v1;
	v0 =	vmov v1  }
0x94: {  	[tilespmem:s9+$0x6000] =	vst v0  }
0x95: {  	[tilespmem:s9+$0x6080] =	vst v0  }
0x96: {  	[tilespmem:s9+$0x6100] =	vst v0  }
0x97: {  	[tilespmem:s9+$0x6180] =	vst v0  }
.Ltmp2:
0x98: {  	[tilespmem:s9+$0x6200] =	vst v0;
	(pc) =	sbr.rel @p0 .LBB2_6-.Ltmp2, $4  }
0x99: {  	[tilespmem:s9+$0x6280] =	vst v0  }
0x9a: {  	[tilespmem:s9+$0x6300] =	vst v0  }
0x9b: {  	s10 =	sadd.s32 $0x80, s10;
	[tilespmem:s9+$0x6380] =	vst v0  }
0x9c: {  	s13 =	sand.u32 $0x1C00, s10;
	s12 =	sand.u32 $0x70, s11;
	s11 =	sadd.s32 $0x10, s11;
	[tilespmem:s9+$0x8000] =	vst v0  }
0x9d: {  	s10 =	sor.u32 s12, s13;
	[tilespmem:s9+$0x8080] =	vst v0  }
0x9e: {  	v1 =	vld [tilespmem:s10+$0x2000];
	[tilespmem:s9+$0x8100] =	vst v0  }
0x9f: {  	[tilespmem:s9+$0x8180] =	vst v0  }
0xa0: {  	[tilespmem:s9+$0x8200] =	vst v0  }
0xa1: {  	[tilespmem:s9+$0x8280] =	vst v0  }
0xa2: {  	[tilespmem:s9+$0x8300] =	vst v0  }
0xa3: {  	[tilespmem:s10+$0x8380] =	vst v1  }
0xa4: {  	[tilespmem:s10+$0x6000] =	vst v1  }
0xa5: {  	[tilespmem:s10+$0x6080] =	vst v1  }
0xa6: {  	[tilespmem:s10+$0x6100] =	vst v1  }
0xa7: {  	[tilespmem:s10+$0x6180] =	vst v1  }
0xa8: {  	[tilespmem:s10+$0x6200] =	vst v1  }
0xa9: {  	[tilespmem:s10+$0x6280] =	vst v1  }
0xaa: {  	[tilespmem:s10+$0x6300] =	vst v1  }
0xab: {  	[tilespmem:s10+$0x6380] =	vst v1  }
0xac: {  	[tilespmem:s10+$0x8000] =	vst v1  }
0xad: {  	[tilespmem:s10+$0x8080] =	vst v1  }
0xae: {  	[tilespmem:s10+$0x8100] =	vst v1  }
0xaf: {  	[tilespmem:s10+$0x8180] =	vst v1  }
0xb0: {  	s13 =	simm.s32 $0x0;
	[tilespmem:s10+$0x8200] =	vst v1  }
0xb1: {  	s15 =	sand.u32 $0x70, s13;
	s9 =	sand.u32 $0x1C00, s13;
	[tilespmem:s10+$0x8280] =	vst v1  }
0xb2: {  	s14 =	rddreg [dreg:$0x4];
	s9 =	sor.u32 s15, s9;
	[tilespmem:s10+$0x8300] =	vst v1  }
0xb3: {  	[hbm4b:s14+s13] =	stream.linear.scatter [tilespmem:s0], [sflag:$0x2], $0x8000, $0x38;
	[tilespmem:$0x12000] =	vst v63  }
0xb4: {  	v0 =	vld [tilespmem:s9+$0x2000];
	_ =	sdelay $0x4  }
0xb5: {  	[tilespmem:s9+$0x10380] =	vst v0  }
0xb6: {  	[tilespmem:s9+$0xA000] =	vst v0  }
0xb7: {  	[tilespmem:s9+$0xA080] =	vst v0  }
0xb8: {  	[tilespmem:s9+$0xA100] =	vst v0  }
0xb9: {  	[tilespmem:s9+$0xA180] =	vst v0  }
0xba: {  	[tilespmem:s9+$0xA200] =	vst v0  }
0xbb: {  	[tilespmem:s9+$0xA280] =	vst v0  }
0xbc: {  	[tilespmem:s9+$0xA300] =	vst v0  }
0xbd: {  	[tilespmem:s9+$0xA380] =	vst v0  }
0xbe: {  	[tilespmem:s9+$0xC000] =	vst v0  }
0xbf: {  	[tilespmem:s9+$0xC080] =	vst v0  }
0xc0: {  	[tilespmem:s9+$0xC100] =	vst v0  }
0xc1: {  	[tilespmem:s9+$0xC180] =	vst v0  }
0xc2: {  	[tilespmem:s9+$0xC200] =	vst v0  }
0xc3: {  	[tilespmem:s9+$0xC280] =	vst v0  }
0xc4: {  	[tilespmem:s9+$0xC300] =	vst v0  }
0xc5: {  	[tilespmem:s9+$0xC380] =	vst v0  }
0xc6: {  	[tilespmem:s9+$0xE000] =	vst v0  }
0xc7: {  	[tilespmem:s9+$0xE080] =	vst v0  }
0xc8: {  	[tilespmem:s9+$0xE100] =	vst v0  }
0xc9: {  	[tilespmem:s9+$0xE180] =	vst v0  }
0xca: {  	[tilespmem:s9+$0xE200] =	vst v0  }
0xcb: {  	[tilespmem:s9+$0xE280] =	vst v0  }
0xcc: {  	[tilespmem:s9+$0xE300] =	vst v0  }
0xcd: {  	s11 =	simm.s32 $0x10;
	s10 =	simm.s32 $0x80;
	[tilespmem:s9+$0xE380] =	vst v0  }
0xce: {  	s12 =	sand.u32 $0x70, s11;
	s11 =	simm.s32 $0x20;
	s13 =	sand.u32 $0x1C00, s10;
	[tilespmem:s9+$0x10000] =	vst v0  }
.LBB2_8:
0xcf: {  	p0 =	sne.s32 s11, $0x3F0;
	s12 =	sor.u32 s12, s13;
	[tilespmem:s9+$0x10080] =	vst v0  }
0xd0: {  	v1 =	vld [tilespmem:s12+$0x2000];
	[tilespmem:s9+$0x10100] =	vst v0  }
0xd1: {  	[tilespmem:s9+$0x10180] =	vst v0  }
0xd2: {  	[tilespmem:s9+$0x10200] =	vst v0  }
0xd3: {  	[tilespmem:s9+$0x10280] =	vst v0  }
0xd4: {  	[tilespmem:s9+$0x10300] =	vst v0;
	s9 =	smov.u32 s12  }
0xd5: {  	[tilespmem:s9+$0x10380] =	vst v1;
	v0 =	vmov v1  }
0xd6: {  	[tilespmem:s9+$0xA000] =	vst v0  }
0xd7: {  	[tilespmem:s9+$0xA080] =	vst v0  }
0xd8: {  	[tilespmem:s9+$0xA100] =	vst v0  }
0xd9: {  	[tilespmem:s9+$0xA180] =	vst v0  }
0xda: {  	[tilespmem:s9+$0xA200] =	vst v0  }
0xdb: {  	[tilespmem:s9+$0xA280] =	vst v0  }
0xdc: {  	[tilespmem:s9+$0xA300] =	vst v0  }
0xdd: {  	[tilespmem:s9+$0xA380] =	vst v0  }
0xde: {  	[tilespmem:s9+$0xC000] =	vst v0  }
0xdf: {  	[tilespmem:s9+$0xC080] =	vst v0  }
0xe0: {  	[tilespmem:s9+$0xC100] =	vst v0  }
0xe1: {  	[tilespmem:s9+$0xC180] =	vst v0  }
0xe2: {  	[tilespmem:s9+$0xC200] =	vst v0  }
0xe3: {  	[tilespmem:s9+$0xC280] =	vst v0  }
0xe4: {  	[tilespmem:s9+$0xC300] =	vst v0  }
0xe5: {  	[tilespmem:s9+$0xC380] =	vst v0  }
0xe6: {  	[tilespmem:s9+$0xE000] =	vst v0  }
0xe7: {  	[tilespmem:s9+$0xE080] =	vst v0  }
0xe8: {  	[tilespmem:s9+$0xE100] =	vst v0  }
0xe9: {  	[tilespmem:s9+$0xE180] =	vst v0  }
.Ltmp3:
0xea: {  	[tilespmem:s9+$0xE200] =	vst v0;
	(pc) =	sbr.rel @p0 .LBB2_8-.Ltmp3, $4  }
0xeb: {  	[tilespmem:s9+$0xE280] =	vst v0  }
0xec: {  	[tilespmem:s9+$0xE300] =	vst v0  }
0xed: {  	s10 =	sadd.s32 $0x80, s10;
	[tilespmem:s9+$0xE380] =	vst v0  }
0xee: {  	s13 =	sand.u32 $0x1C00, s10;
	s12 =	sand.u32 $0x70, s11;
	s11 =	sadd.s32 $0x10, s11;
	[tilespmem:s9+$0x10000] =	vst v0  }
0xef: {  	s10 =	sor.u32 s12, s13;
	[tilespmem:s9+$0x10080] =	vst v0  }
0xf0: {  	v1 =	vld [tilespmem:s10+$0x2000];
	[tilespmem:s9+$0x10100] =	vst v0  }
0xf1: {  	[tilespmem:s9+$0x10180] =	vst v0  }
0xf2: {  	[tilespmem:s9+$0x10200] =	vst v0  }
0xf3: {  	[tilespmem:s9+$0x10280] =	vst v0  }
0xf4: {  	[tilespmem:s9+$0x10300] =	vst v0  }
0xf5: {  	[tilespmem:s10+$0x10380] =	vst v1  }
0xf6: {  	[tilespmem:s10+$0xA000] =	vst v1  }
0xf7: {  	[tilespmem:s10+$0xA080] =	vst v1  }
0xf8: {  	[tilespmem:s10+$0xA100] =	vst v1  }
0xf9: {  	[tilespmem:s10+$0xA180] =	vst v1  }
0xfa: {  	[tilespmem:s10+$0xA200] =	vst v1  }
0xfb: {  	[tilespmem:s10+$0xA280] =	vst v1  }
0xfc: {  	[tilespmem:s10+$0xA300] =	vst v1  }
0xfd: {  	[tilespmem:s10+$0xA380] =	vst v1  }
0xfe: {  	[tilespmem:s10+$0xC000] =	vst v1  }
0xff: {  	[tilespmem:s10+$0xC080] =	vst v1  }
0x100: {  	[tilespmem:s10+$0xC100] =	vst v1  }
0x101: {  	[tilespmem:s10+$0xC180] =	vst v1  }
0x102: {  	[tilespmem:s10+$0xC200] =	vst v1  }
0x103: {  	[tilespmem:s10+$0xC280] =	vst v1  }
0x104: {  	[tilespmem:s10+$0xC300] =	vst v1  }
0x105: {  	[tilespmem:s10+$0xC380] =	vst v1  }
0x106: {  	[tilespmem:s10+$0xE000] =	vst v1  }
0x107: {  	[tilespmem:s10+$0xE080] =	vst v1  }
0x108: {  	[tilespmem:s10+$0xE100] =	vst v1  }
0x109: {  	[tilespmem:s10+$0xE180] =	vst v1  }
0x10a: {  	[tilespmem:s10+$0xE200] =	vst v1  }
0x10b: {  	[tilespmem:s10+$0xE280] =	vst v1  }
0x10c: {  	[tilespmem:s10+$0xE300] =	vst v1  }
0x10d: {  	[tilespmem:s10+$0xE380] =	vst v1  }
0x10e: {  	[tilespmem:s10+$0x10000] =	vst v1  }
0x10f: {  	[tilespmem:s10+$0x10080] =	vst v1  }
0x110: {  	[tilespmem:s10+$0x10100] =	vst v1  }
0x111: {  	[tilespmem:s10+$0x10180] =	vst v1  }
0x112: {  	[tilespmem:s10+$0x10200] =	vst v1  }
0x113: {  	[tilespmem:s10+$0x10280] =	vst v1  }
0x114: {  	s15 =	rddreg [dreg:$0x5];
	[tilespmem:s10+$0x10300] =	vst v1  }
0x115: {  	[hbm4b:s15+s2] =	stream.linear.scatter [tilespmem:s0], [sflag:$0x2], $0x10000, $0x38;
	[tilespmem:$0x12000] =	vst v63  }
0x116: {  	s10 =	rddreg [dreg:$0x6]  }
0x117: {  	[hbm4b:s10+s2] =	stream.linear.scatter [tilespmem:s0], [sflag:$0x2], $0x10000, $0x38;
	[tilespmem:$0x12000] =	vst v63  }
0x118: {  	s11 =	rddreg [dreg:$0x7]  }
0x119: {  	[hbm4b:s11+s2] =	stream.linear.scatter [tilespmem:s0], [sflag:$0x2], $0x10000, $0x38;
	[tilespmem:$0x12000] =	vst v63  }
0x11a: {  	s12 =	rddreg [dreg:$0x8]  }
0x11b: {  	[hbm4b:s12+s2] =	stream.linear.scatter [tilespmem:s0], [sflag:$0x2], $0x10000, $0x38;
	[tilespmem:$0x12000] =	vst v63  }
0x11c: {  	s13 =	rddreg [dreg:$0x9]  }
0x11d: {  	[hbm4b:s13+s2] =	stream.linear.scatter [tilespmem:s0], [sflag:$0x2], $0x10000, $0x38;
	[tilespmem:$0x12000] =	vst v63  }
0x11e: {  	s14 =	rddreg [dreg:$0xa]  }
0x11f: {  	[hbm4b:s14+s2] =	stream.linear.scatter [tilespmem:s0], [sflag:$0x2], $0x10000, $0x38;
	[tilespmem:$0x12000] =	vst v63  }
0x120: {  	s15 =	rddreg [dreg:$0xb]  }
0x121: {  	[hbm4b:s15+s2] =	stream.linear.scatter [tilespmem:s0], [sflag:$0x2], $0x10000, $0x38;
	[tilespmem:$0x12000] =	vst v63  }
0x122: {  	_ = 	snop  }
0x123: {  	[hbm4b:s16+s2] =	stream.linear.scatter [tilespmem:s0], [sflag:$0x2], $0x2000, $0x38;
	[tilespmem:$0x12000] =	vst v63  }
0x124: {  	_ =	swait.ge [sflag:s7], $0x2000  }
0x125: {  	[sflag:s7] =	ssyncset.done $0x0  }
0x126: {  	[sflag:s7] =	ssyncadd.s32 $0xFFFFE000  }
0x127: {  	_ =	swait.ge [sflag:s7], $0x4000  }
0x128: {  	[sflag:s7] =	ssyncset.done $0x0  }
0x129: {  	[sflag:s7] =	ssyncadd.s32 $0xFFFFC000  }
0x12a: {  	_ =	swait.ge [sflag:s7], $0x8000  }
0x12b: {  	[sflag:s7] =	ssyncset.done $0x0  }
0x12c: {  	[sflag:s7] =	ssyncadd.s32 $0xFFFF8000  }
0x12d: {  	_ =	swait.ge [sflag:s7], $0x10000  }
0x12e: {  	[sflag:s7] =	ssyncset.done $0x0  }
0x12f: {  	[sflag:s7] =	ssyncadd.s32 $0xFFFF0000  }
0x130: {  	_ =	swait.ge [sflag:s7], $0x10000  }
0x131: {  	[sflag:s7] =	ssyncset.done $0x0  }
0x132: {  	[sflag:s7] =	ssyncadd.s32 $0xFFFF0000  }
0x133: {  	_ =	swait.ge [sflag:s7], $0x10000  }
0x134: {  	[sflag:s7] =	ssyncset.done $0x0  }
0x135: {  	[sflag:s7] =	ssyncadd.s32 $0xFFFF0000  }
0x136: {  	_ =	swait.ge [sflag:s7], $0x10000  }
0x137: {  	[sflag:s7] =	ssyncset.done $0x0  }
0x138: {  	[sflag:s7] =	ssyncadd.s32 $0xFFFF0000  }
0x139: {  	_ =	swait.ge [sflag:s7], $0x10000  }
0x13a: {  	[sflag:s7] =	ssyncset.done $0x0  }
0x13b: {  	[sflag:s7] =	ssyncadd.s32 $0xFFFF0000  }
0x13c: {  	_ =	swait.ge [sflag:s7], $0x10000  }
0x13d: {  	[sflag:s7] =	ssyncset.done $0x0  }
0x13e: {  	s8 =	sadd.s32 $0x1, s8;
	[sflag:s7] =	ssyncadd.s32 $0xFFFF0000  }
0x13f: {  	p0 =	sne.s32 s8, s17;
	_ =	swait.ge [sflag:s7], $0x10000  }
.Ltmp4:
0x140: {  	[sflag:s7] =	ssyncset.done $0x0;
	(pc) =	sbr.rel @p0 .LBB2_1-.Ltmp4, $4  }
0x141: {  	[sflag:s7] =	ssyncadd.s32 $0xFFFF0000  }
0x142: {  	_ =	swait.ge [sflag:s7], $0x2000  }
0x143: {  	[sflag:s7] =	ssyncset.done $0x0  }
0x144: {  	[sflag:s7] =	ssyncadd.s32 $0xFFFFE000  }
0x145: {  	_ =	sfence.sel $0x180000  }
0x146: {  	[bflag:$0x0] =	sbarrier.arrive $0xFFFF  }
0x147: {  	_ =	strace $0x90000047  }
0x148: {  	s0 =	stileid.u32;
	[bflag:$0x2] =	sbarrier.arrive $0xFFFF  }
0x149: {  	p0 =	sne.s32 s0, $0x0;
	s0 =	rddreg [dreg:$0x2]  }
0x14a: {  	s0 =	sadd.s32 @!p0 $0x100000, s0  }
0x14b: {  	[sflag:s0] =	ssyncadd.tile.s32 @!p0 $0x1;
	_ =	shalt  }
.Lfunc_end2:
_tile_overlayer_lowered:
.L_overlay_start_2:
0x14c: {  	(tag) =	ssettag $0x2  }
0x14d: {  	s0 =	rddreg [dreg:$0x0];
	s2 =	stileid.u32  }
0x14e: {  	s1 =	rddreg [dreg:$0x1];
	p0 =	sne.s32 s2, $0x0  }
0x14f: {  	s3 =	rddreg [dreg:$0x2];
	[bflag:$0x3] =	sbarrier.arrive $0xFFFF;
	s2 =	simm.s32 @!p0 $0x1C03  }
0x150: {  	[timem:s3], [sflag:s2] =	dma.local @!p0 [hbm:s0], s1  }
0x151: {  	s0 =	simm.s32 @!p0 $0x3  }
0x152: {  	_ =	swait.ge @!p0 [sflag:s0], s1  }
0x153: {  	s1 =	ssub.s32 @!p0 $0x0, s1;
	[sflag:s0] =	ssyncset.done @!p0 $0x0  }
0x154: {  	[sflag:s0] =	ssyncadd.s32 @!p0 s1  }
0x155: {  	[bflag:$0x3] =	sbarrier.arrive $0xFFFF  }
0x156: {  	_ =	shalt  }

</sc_bundles>
